<compile_context>
chip_gen: v7x
topology: tpu7x:2x2x1
jax: 0.10.2.dev20260603
libtpu: 0.0.44.dev20260713+nightly
codegen_flags: <defaults>
</compile_context>

<pallas_src>
import functools

import jax
import jax.numpy as jnp
from jax import lax
from jax.experimental import pallas as pl
from jax.experimental.pallas import tpu as pltpu
from jax.experimental.pallas import tpu_sc as plsc

B = 4096
L = 200
D = 64
NCAT_P = 1008
NSMALL = 16
NW = 32
RPW = B // NW
NG = RPW // 16


def _sc_hist_body(item_seq, cat_seq, inter_seq, dur_seq, video_cat, age,
                  gender, cat_emb, age_emb, gender_emb,
                  o_cat_cnt, o_inter_cnt, o_dur_cnt, o_ec, o_eage, o_egen,
                  ia0, gbuf, slab_it, slab_ct, slab_in, slab_du, hist_c,
                  hist_i, hist_d, sem0):
  nc = 2
  wid = lax.axis_index("s") * nc + lax.axis_index("c")
  base = wid * RPW

  zf = jnp.zeros((16,), jnp.float32)
  ones16 = jnp.ones((16,), jnp.float32)
  row_iota = lax.iota(jnp.int32, 16)

  def single_gather(idx_src, table, out):
    pltpu.sync_copy(idx_src.at[pl.ds(base, RPW)], ia0)
    pltpu.async_copy(table.at[ia0], gbuf, sem0).wait()
    pltpu.sync_copy(gbuf, out.at[pl.ds(base, RPW)])

  single_gather(video_cat, cat_emb, o_ec)
  single_gather(age, age_emb, o_eage)
  single_gather(gender, gender_emb, o_egen)

  def zero_hist(r, _):
    def zcol(j, _):
      hist_c[r, pl.ds(j * 16, 16)] = zf
      return None
    lax.fori_loop(0, NCAT_P // 16, zcol, None)
    hist_i[r, :] = zf
    hist_d[r, :] = zf
    return None
  lax.fori_loop(0, 16, zero_hist, None)

  row_off = row_iota * L
  def group(g, _):
    r0 = base + g * 16
    pltpu.sync_copy(item_seq.at[pl.ds(r0 * L, 16 * L)], slab_it)
    pltpu.sync_copy(cat_seq.at[pl.ds(r0 * L, 16 * L)], slab_ct)
    pltpu.sync_copy(inter_seq.at[pl.ds(r0 * L, 16 * L)], slab_in)
    pltpu.sync_copy(dur_seq.at[pl.ds(r0 * L, 16 * L)], slab_du)

    def tok(t, _):
      tv = row_off + t
      it_v = plsc.load_gather(slab_it, [tv])
      m = it_v > 0
      ct_v = plsc.load_gather(slab_ct, [tv])
      in_v = plsc.load_gather(slab_in, [tv])
      du_v = plsc.load_gather(slab_du, [tv])
      plsc.addupdate_scatter(hist_c, [row_iota, ct_v], ones16, mask=m)
      plsc.addupdate_scatter(hist_i, [row_iota, in_v], ones16, mask=m)
      plsc.addupdate_scatter(hist_d, [row_iota, du_v], ones16, mask=m)
      return None
    lax.fori_loop(0, L, tok, None)

    pltpu.sync_copy(hist_c, o_cat_cnt.at[pl.ds(r0, 16)])
    pltpu.sync_copy(hist_i, o_inter_cnt.at[pl.ds(r0, 16)])
    pltpu.sync_copy(hist_d, o_dur_cnt.at[pl.ds(r0, 16)])
    lax.fori_loop(0, 16, zero_hist, None)
    return None
  lax.fori_loop(0, NG, group, None)


def _sc_item_body(item_seq, item_id, item_emb,
                  o_sum_item, o_ei,
                  ia0, ib0, ia1, ib1, rows0, rows1, acc, sem0, sem1):
  nc = 2
  wid = lax.axis_index("s") * nc + lax.axis_index("c")
  base = wid * RPW

  zf = jnp.zeros((16,), jnp.float32)

  pltpu.sync_copy(item_id.at[pl.ds(base, RPW)], ia0)
  pltpu.async_copy(item_emb.at[ia0], rows0.at[pl.ds(0, RPW)], sem0).wait()
  pltpu.sync_copy(rows0.at[pl.ds(0, RPW)], o_ei.at[pl.ds(base, RPW)])

  def stage_idx(r, ia, ib):
    pltpu.sync_copy(item_seq.at[pl.ds(r * L, 128)], ia)
    pltpu.sync_copy(item_seq.at[pl.ds(r * L + 128, 72)], ib)

  def start_gather(ia, ib, buf, sem):
    pltpu.async_copy(item_emb.at[ia], buf.at[pl.ds(0, 128)], sem)
    pltpu.async_copy(item_emb.at[ib], buf.at[pl.ds(128, 72)], sem)

  def wait_gather(ia, ib, buf, sem):
    pltpu.make_async_copy(item_emb.at[ia], buf.at[pl.ds(0, 128)], sem).wait()
    pltpu.make_async_copy(item_emb.at[ib], buf.at[pl.ds(128, 72)], sem).wait()

  def acc_row(buf, r):
    def tokd(j, carry):
      a0, a1, a2, a3 = carry
      t = j * 2
      a0 = a0 + buf[t, pl.ds(0, 16)] + buf[t + 1, pl.ds(0, 16)]
      a1 = a1 + buf[t, pl.ds(16, 16)] + buf[t + 1, pl.ds(16, 16)]
      a2 = a2 + buf[t, pl.ds(32, 16)] + buf[t + 1, pl.ds(32, 16)]
      a3 = a3 + buf[t, pl.ds(48, 16)] + buf[t + 1, pl.ds(48, 16)]
      return (a0, a1, a2, a3)
    a0, a1, a2, a3 = lax.fori_loop(0, L // 2, tokd, (zf, zf, zf, zf))
    acc[r, pl.ds(0, 16)] = a0
    acc[r, pl.ds(16, 16)] = a1
    acc[r, pl.ds(32, 16)] = a2
    acc[r, pl.ds(48, 16)] = a3

  stage_idx(base, ia0, ib0)
  start_gather(ia0, ib0, rows0, sem0)

  def pair(j, _):
    r0 = base + j * 2
    stage_idx(r0 + 1, ia1, ib1)
    start_gather(ia1, ib1, rows1, sem1)
    wait_gather(ia0, ib0, rows0, sem0)
    acc_row(rows0, j * 2)

    @pl.when(j + 1 < RPW // 2)
    def _():
      stage_idx(r0 + 2, ia0, ib0)
      start_gather(ia0, ib0, rows0, sem0)
    wait_gather(ia1, ib1, rows1, sem1)
    acc_row(rows1, j * 2 + 1)
    return None
  lax.fori_loop(0, RPW // 2, pair, None)

  pltpu.sync_copy(acc, o_sum_item.at[pl.ds(base, RPW)])


_SC_PARAMS = dict(compiler_params=pltpu.CompilerParams(
    use_tc_tiling_on_sc=True, needs_layout_passes=False))


def _sc_hist_call(item_seq, cat_seq, inter_seq, dur_seq, video_cat, age,
                  gender, cat_emb, age_emb, gender_emb):
  f32 = jnp.float32
  mesh = plsc.VectorSubcoreMesh(core_axis_name="c", subcore_axis_name="s")
  out_type = [
      jax.ShapeDtypeStruct((B, NCAT_P), f32),
      jax.ShapeDtypeStruct((B, NSMALL), f32),
      jax.ShapeDtypeStruct((B, NSMALL), f32),
      jax.ShapeDtypeStruct((B, 128), f32),
      jax.ShapeDtypeStruct((B, 128), f32),
      jax.ShapeDtypeStruct((B, 128), f32),
  ]
  scratch = [
      pltpu.VMEM((128,), jnp.int32),
      pltpu.VMEM((RPW, 128), f32),
      pltpu.VMEM((16 * L,), jnp.int32),
      pltpu.VMEM((16 * L,), jnp.int32),
      pltpu.VMEM((16 * L,), jnp.int32),
      pltpu.VMEM((16 * L,), jnp.int32),
      pltpu.VMEM((16, NCAT_P), f32),
      pltpu.VMEM((16, NSMALL), f32),
      pltpu.VMEM((16, NSMALL), f32),
      pltpu.SemaphoreType.DMA,
  ]
  fn = pl.kernel(_sc_hist_body, out_type=out_type, mesh=mesh,
                 scratch_types=scratch, **_SC_PARAMS)
  return fn(item_seq, cat_seq, inter_seq, dur_seq, video_cat, age, gender,
            cat_emb, age_emb, gender_emb)


def _sc_item_call(item_seq, item_id, item_emb):
  f32 = jnp.float32
  mesh = plsc.VectorSubcoreMesh(core_axis_name="c", subcore_axis_name="s")
  out_type = [
      jax.ShapeDtypeStruct((B, D), f32),
      jax.ShapeDtypeStruct((B, 128), f32),
  ]
  scratch = [
      pltpu.VMEM((128,), jnp.int32),
      pltpu.VMEM((72,), jnp.int32),
      pltpu.VMEM((128,), jnp.int32),
      pltpu.VMEM((72,), jnp.int32),
      pltpu.VMEM((L, 128), f32),
      pltpu.VMEM((L, 128), f32),
      pltpu.VMEM((RPW, D), f32),
      pltpu.SemaphoreType.DMA,
      pltpu.SemaphoreType.DMA,
  ]
  fn = pl.kernel(_sc_item_body, out_type=out_type, mesh=mesh,
                 scratch_types=scratch, **_SC_PARAMS)
  return fn(item_seq, item_id, item_emb)


def _tc_cat_body(cat_cnt, cat_t, o_catsum, o_c):
  cc = cat_cnt[...]
  o_catsum[...] = jnp.dot(cc, cat_t[...], precision=jax.lax.Precision.HIGHEST)
  o_c[...] = jnp.sum(cc, axis=1, keepdims=True)


def _tc_body(sum_item, catsum, c_in, inter_cnt, dur_cnt, ei, ec, eage, egen,
             ua, pop, e0, inter_t, dur_t,
             w_it, w_ct, w_in, w_du, w_ua, w_ag, w_ge, ub0, ug0, ube0,
             uW1, ub1, ug1, ube1, uW2, ub2,
             iw_ei, iw_ec, iw_pop, ib0, ig0, ibe0,
             iW1, ib1, ig1, ibe1, iW2, ib2,
             o_u, o_i):
  hi = jax.lax.Precision.HIGHEST

  def dot(a, b):
    return jnp.dot(a, b, precision=hi)

  def bn(x, g, b):
    m = jnp.mean(x, axis=0, keepdims=True)
    v = jnp.mean((x - m) * (x - m), axis=0, keepdims=True)
    return g[...] * (x - m) / jnp.sqrt(v + 1e-5) + b[...]

  def l2n(x):
    n = jnp.sqrt(jnp.sum(x * x, axis=1, keepdims=True))
    return x / jnp.maximum(n, 1e-12)

  c = c_in[...]
  denom = jnp.maximum(c, 1e-9)
  n0 = jnp.float32(L) - c
  p_item = (sum_item[...] - n0 * e0[...]) / denom
  p_cat = catsum[...] / denom
  p_inter = dot(inter_cnt[...], inter_t[...]) / denom
  p_dur = dot(dur_cnt[...], dur_t[...]) / denom

  h = (dot(p_item, w_it[...]) + dot(p_cat, w_ct[...]) +
       dot(p_inter, w_in[...]) + dot(p_dur, w_du[...]) +
       ua[...] * w_ua[...] + dot(eage[...], w_ag[...]) +
       dot(egen[...], w_ge[...]) + ub0[...])
  h = jnp.maximum(bn(h, ug0[...], ube0[...]), 0.0)
  h = jnp.maximum(bn(dot(h, uW1[...]) + ub1[...], ug1[...], ube1[...]), 0.0)
  u = dot(h, uW2[...]) + ub2[...]

  h = (dot(ei[...], iw_ei[...]) + dot(ec[...], iw_ec[...]) +
       pop[...] * iw_pop[...] + ib0[...])
  h = jnp.maximum(bn(h, ig0[...], ibe0[...]), 0.0)
  h = jnp.maximum(bn(dot(h, iW1[...]) + ib1[...], ig1[...], ibe1[...]), 0.0)
  iv = dot(h, iW2[...]) + ib2[...]

  o_u[...] = l2n(u)
  o_i[...] = l2n(iv)


def kernel(item_id_seq, video_category_seq, inter_type_seq,
           duration_bucket_seq, user_activity_norm, age, gender, item_id,
           video_category, item_pop_norm, item_emb, cat_emb, inter_emb,
           dur_emb, age_emb, gender_emb, uW0, ub0, ug0, ube0, uW1, ub1, ug1,
           ube1, uW2, ub2, iW0, ib0, ig0, ibe0, iW1, ib1, ig1, ibe1, iW2,
           ib2):
  i32 = jnp.int32
  f32 = jnp.float32
  item_seq = item_id_seq.astype(i32).reshape(-1)
  cat_seq = video_category_seq.astype(i32).reshape(-1)
  inter_seq = inter_type_seq.astype(i32).reshape(-1)
  dur_seq = duration_bucket_seq.astype(i32).reshape(-1)

  item_pad = jnp.transpose(jnp.pad(jnp.transpose(item_emb),
                                   ((0, 128 - D), (0, 0))))
  cat_pad = jnp.pad(cat_emb, ((0, 0), (0, 128 - D)))
  age_pad = jnp.pad(age_emb, ((0, 0), (0, 128 - D // 2)))
  gen_pad = jnp.pad(gender_emb, ((0, 0), (0, 128 - D // 2)))

  (cat_cnt, inter_cnt, dur_cnt, ec128, eage128, egen128) = _sc_hist_call(
      item_seq, cat_seq, inter_seq, dur_seq, video_category.astype(i32),
      age.astype(i32), gender.astype(i32), cat_pad, age_pad, gen_pad)
  sum_item, ei128 = _sc_item_call(item_seq, item_id.astype(i32), item_pad)
  ei = lax.slice(ei128, (0, 0), (B, D))
  ec = lax.slice(ec128, (0, 0), (B, D))
  eage = lax.slice(eage128, (0, 0), (B, D // 2))
  egen = lax.slice(egen128, (0, 0), (B, D // 2))

  e0 = lax.slice(item_emb, (0, 0), (1, D))
  cat_t = jnp.pad(cat_emb, ((0, NCAT_P - cat_emb.shape[0]), (0, 0)))
  inter_t = jnp.pad(inter_emb, ((0, NSMALL - inter_emb.shape[0]), (0, 0)))
  dur_t = jnp.pad(dur_emb, ((0, NSMALL - dur_emb.shape[0]), (0, 0)))

  w_it = lax.slice(uW0, (0, 0), (D, 128))
  w_ct = lax.slice(uW0, (D, 0), (2 * D, 128))
  w_in = lax.slice(uW0, (2 * D, 0), (3 * D, 128))
  w_du = lax.slice(uW0, (3 * D, 0), (4 * D, 128))
  w_ua = lax.slice(uW0, (4 * D, 0), (4 * D + 1, 128))
  w_ag = lax.slice(uW0, (4 * D + 1, 0), (4 * D + 1 + D // 2, 128))
  w_ge = lax.slice(uW0, (4 * D + 1 + D // 2, 0), (4 * D + 1 + D, 128))
  iw_ei = lax.slice(iW0, (0, 0), (D, 128))
  iw_ec = lax.slice(iW0, (D, 0), (2 * D, 128))
  iw_pop = lax.slice(iW0, (2 * D, 0), (2 * D + 1, 128))

  def r2(v):
    return v.reshape(1, -1)

  nblk = 8
  rows = B // nblk
  catsum, c = pl.pallas_call(
      _tc_cat_body,
      grid=(nblk,),
      in_specs=[pl.BlockSpec((rows, NCAT_P), lambda i: (i, 0)),
                pl.BlockSpec((NCAT_P, D), lambda i: (0, 0))],
      out_specs=[pl.BlockSpec((rows, D), lambda i: (i, 0)),
                 pl.BlockSpec((rows, 1), lambda i: (i, 0))],
      out_shape=[jax.ShapeDtypeStruct((B, D), f32),
                 jax.ShapeDtypeStruct((B, 1), f32)])(cat_cnt, cat_t)

  out_shape = (jax.ShapeDtypeStruct((B, D), f32),
               jax.ShapeDtypeStruct((B, D), f32))
  return pl.pallas_call(_tc_body, out_shape=out_shape)(
      sum_item, catsum, c, inter_cnt, dur_cnt, ei, ec, eage, egen,
      user_activity_norm, item_pop_norm, e0, inter_t, dur_t,
      w_it, w_ct, w_in, w_du, w_ua, w_ag, w_ge,
      r2(ub0), r2(ug0), r2(ube0), uW1, r2(ub1), r2(ug1), r2(ube1),
      uW2, r2(ub2),
      iw_ei, iw_ec, iw_pop, r2(ib0), r2(ig0), r2(ibe0),
      iW1, r2(ib1), r2(ig1), r2(ibe1), iW2, r2(ib2))

# --- scband reference (transcript-rebuilt; emitter-appended) ---
"""Pipeline reference for scband-two-tower-model-90941637525837 (READ-ONLY COPY).

The authoritative reference and input builder live on the scoring server;
editing this copy changes nothing except your own understanding.
"""

import jax, jax.numpy as jnp
import numpy as np

NUM_ITEMS = 1000000
NUM_CATS = 1000
NUM_INTER = 8
NUM_DUR = 16
D = 64
B = 4096
L = 200


def _bn(x, g, b):
    m = jnp.mean(x, axis=0, keepdims=True)
    v = jnp.var(x, axis=0, keepdims=True)
    return g * (x - m) / jnp.sqrt(v + 1e-5) + b


def _mlp(x, layers):
    h = x
    for (W, bb, g, be) in layers[:-1]:
        h = jnp.maximum(_bn(h @ W + bb, g, be), 0.0)
    W, bb = layers[-1]
    return h @ W + bb


def _pool(e, mask):
    m = mask[:, :, None]
    s = jnp.sum(e * m, axis=1)
    c = jnp.clip(jnp.sum(m, axis=1), 1e-9, None)
    return s / c


def _l2norm(x):
    n = jnp.sqrt(jnp.sum(x * x, axis=1, keepdims=True))
    return x / jnp.maximum(n, 1e-12)


def setup_inputs(seed: int = 0):
    key = jax.random.key(seed)
    ks = jax.random.split(key, 24)
    inp = {}
    inp["item_id_seq"] = jax.random.randint(ks[0], (B, L), 0, NUM_ITEMS)
    inp["video_category_seq"] = jax.random.randint(ks[1], (B, L), 0, NUM_CATS)
    inp["inter_type_seq"] = jax.random.randint(ks[2], (B, L), 0, NUM_INTER)
    inp["duration_bucket_seq"] = jax.random.randint(ks[3], (B, L), 0, NUM_DUR)
    inp["user_activity_norm"] = jax.random.uniform(ks[4], (B, 1), jnp.float32)
    inp["age"] = jax.random.randint(ks[5], (B,), 0, 120)
    inp["gender"] = jax.random.randint(ks[6], (B,), 0, 5)
    inp["item_id"] = jax.random.randint(ks[7], (B,), 0, NUM_ITEMS)
    inp["video_category"] = jax.random.randint(ks[8], (B,), 0, NUM_CATS)
    inp["item_pop_norm"] = jax.random.uniform(ks[9], (B, 1), jnp.float32)
    inp["item_emb"] = jax.random.normal(ks[10], (NUM_ITEMS, D), jnp.float32) * 0.02
    inp["cat_emb"] = jax.random.normal(ks[11], (NUM_CATS, D), jnp.float32) * 0.05
    inp["inter_emb"] = jax.random.normal(ks[12], (NUM_INTER, D), jnp.float32) * 0.1
    inp["dur_emb"] = jax.random.normal(ks[13], (NUM_DUR, D), jnp.float32) * 0.1
    inp["age_emb"] = jax.random.normal(ks[14], (120, D // 2), jnp.float32) * 0.1
    inp["gender_emb"] = jax.random.normal(ks[15], (5, D // 2), jnp.float32) * 0.1

    def lin(k, fi, fo):
        return jax.random.normal(k, (fi, fo), jnp.float32) * (2.0 / (fi + fo)) ** 0.5

    uin = 4 * D + 1 + D
    iin = 2 * D + 1
    inp["uW0"] = lin(ks[16], uin, 128)
    inp["ub0"] = jnp.zeros((128,), jnp.float32)
    inp["ug0"] = jnp.ones((128,), jnp.float32)
    inp["ube0"] = jnp.zeros((128,), jnp.float32)
    inp["uW1"] = lin(ks[17], 128, 64)
    inp["ub1"] = jnp.zeros((64,), jnp.float32)
    inp["ug1"] = jnp.ones((64,), jnp.float32)
    inp["ube1"] = jnp.zeros((64,), jnp.float32)
    inp["uW2"] = lin(ks[18], 64, D)
    inp["ub2"] = jnp.zeros((D,), jnp.float32)
    inp["iW0"] = lin(ks[19], iin, 128)
    inp["ib0"] = jnp.zeros((128,), jnp.float32)
    inp["ig0"] = jnp.ones((128,), jnp.float32)
    inp["ibe0"] = jnp.zeros((128,), jnp.float32)
    inp["iW1"] = lin(ks[20], 128, 64)
    inp["ib1"] = jnp.zeros((64,), jnp.float32)
    inp["ig1"] = jnp.ones((64,), jnp.float32)
    inp["ibe1"] = jnp.zeros((64,), jnp.float32)
    inp["iW2"] = lin(ks[21], 64, D)
    inp["ib2"] = jnp.zeros((D,), jnp.float32)
    return inp


def reference(item_id_seq, video_category_seq, inter_type_seq, duration_bucket_seq,
              user_activity_norm, age, gender, item_id, video_category, item_pop_norm,
              item_emb, cat_emb, inter_emb, dur_emb, age_emb, gender_emb,
              uW0, ub0, ug0, ube0, uW1, ub1, ug1, ube1, uW2, ub2,
              iW0, ib0, ig0, ibe0, iW1, ib1, ig1, ibe1, iW2, ib2):
    mask = (item_id_seq > 0).astype(jnp.float32)
    e_item = jnp.take(item_emb, item_id_seq, axis=0)
    e_cat = jnp.take(cat_emb, video_category_seq, axis=0)
    e_inter = jnp.take(inter_emb, inter_type_seq, axis=0)
    e_dur = jnp.take(dur_emb, duration_bucket_seq, axis=0)
    p_item = _pool(e_item, mask)
    p_cat = _pool(e_cat, mask)
    p_inter = _pool(e_inter, mask)
    p_dur = _pool(e_dur, mask)
    e_age = jnp.take(age_emb, age, axis=0)
    e_gender = jnp.take(gender_emb, gender, axis=0)
    user_vec = jnp.concatenate([p_item, p_cat, p_inter, p_dur, user_activity_norm, e_age, e_gender], axis=1)
    u = _mlp(user_vec, [(uW0, ub0, ug0, ube0), (uW1, ub1, ug1, ube1), (uW2, ub2)])
    ei = jnp.take(item_emb, item_id, axis=0)
    ec = jnp.take(cat_emb, video_category, axis=0)
    item_vec = jnp.concatenate([ei, ec, item_pop_norm], axis=1)
    iv = _mlp(item_vec, [(iW0, ib0, ig0, ibe0), (iW1, ib1, ig1, ibe1), (iW2, ib2)])
    return (_l2norm(u), _l2norm(iv))

if __name__ == "__main__":
    import jax
    _d = setup_inputs()
    print(jax.jit(kernel)(*tuple(_d.values())))

</pallas_src>

<mosaic_0001>
#map = affine_map<(d0, d1) -> (0)>
#map1 = affine_map<(d0, d1) -> (0, 0)>
module attributes {stable_mosaic.version = 14 : i64} {
  func.func @_sc_item_body(%arg0: i32, %arg1: i32, %arg2: memref<819200xi32, #tpu.memory_space<hbm>>, %arg3: memref<4096xi32, #tpu.memory_space<hbm>>, %arg4: memref<1000000x128xf32, #tpu.memory_space<hbm>>, %arg5: memref<4096x64xf32, #tpu.memory_space<hbm>>, %arg6: memref<4096x128xf32, #tpu.memory_space<hbm>>, %arg7: memref<128xi32, #tpu.memory_space<vmem>>, %arg8: memref<72xi32, #tpu.memory_space<vmem>>, %arg9: memref<128xi32, #tpu.memory_space<vmem>>, %arg10: memref<72xi32, #tpu.memory_space<vmem>>, %arg11: memref<200x128xf32, #tpu.memory_space<vmem>>, %arg12: memref<200x128xf32, #tpu.memory_space<vmem>>, %arg13: memref<128x64xf32, #tpu.memory_space<vmem>>, %arg14: memref<!tpu.dma_semaphore, #tpu.memory_space<semaphore_mem>>, %arg15: memref<!tpu.dma_semaphore, #tpu.memory_space<semaphore_mem>>) attributes {dimension_semantics = [#tpu.dimension_semantics<core_parallel>, #tpu.dimension_semantics<subcore_parallel>], iteration_bounds = array<i64: 2, 16>, scalar_prefetch = 0 : i64, scratch_operands = 9 : i64, tpu.core_type = #tpu.core_type<sc_vector_subcore>, window_params = [{transform_indices = #map}, {transform_indices = #map}, {transform_indices = #map1}, {transform_indices = #map1}, {transform_indices = #map1}]} {
    %mul3A = arith.constant 2 : i32
    %mul3A_0 = arith.muli %arg1, %mul3A : i32
    %add3A = arith.addi %mul3A_0, %arg0 : i32
    %mul3A_1 = arith.constant 128 : i32
    %mul3A_2 = arith.muli %add3A, %mul3A_1 : i32
    %broadcast_in_dim3A = arith.constant 0.000000e+00 : f32
    %broadcast_in_dim3A_3 = vector.broadcast %broadcast_in_dim3A : f32 to vector<16xf32>
    "tpu.region"() ({
      %run_scoped3A = tpu.sem_alloc : memref<!tpu.dma_semaphore, #tpu.memory_space<semaphore_mem>>
      %dma_start3A_36 = tpu.memref_slice %arg3[%mul3A_2] : memref<4096xi32, #tpu.memory_space<hbm>> -> memref<128xi32, #tpu.memory_space<hbm>>
      %dma_start3A_37 = tpu.memref_slice %arg3[%mul3A_2] : memref<4096xi32, #tpu.memory_space<hbm>> -> memref<128xi32, #tpu.memory_space<hbm>>
      tpu.enqueue_dma source(%dma_start3A_37 : memref<128xi32, #tpu.memory_space<hbm>>) target(%arg7 : memref<128xi32, #tpu.memory_space<vmem>>) target_semaphore(%run_scoped3A : memref<!tpu.dma_semaphore, #tpu.memory_space<semaphore_mem>>)
      %dma_wait3A_38 = tpu.memref_slice %arg3[%mul3A_2] : memref<4096xi32, #tpu.memory_space<hbm>> -> memref<128xi32, #tpu.memory_space<hbm>>
      %dma_wait3A_39 = tpu.memref_slice %arg3[%mul3A_2] : memref<4096xi32, #tpu.memory_space<hbm>> -> memref<128xi32, #tpu.memory_space<hbm>>
      tpu.wait_dma2 semaphore(%run_scoped3A : memref<!tpu.dma_semaphore, #tpu.memory_space<semaphore_mem>>) src(%dma_wait3A_39 : memref<128xi32, #tpu.memory_space<hbm>>) dst(%arg7 : memref<128xi32, #tpu.memory_space<vmem>>)
      tpu.yield
    }) : () -> ()
    %dma_start3A = arith.constant 0 : i32
    %dma_start3A_4 = arith.constant 0 : i32
    %dma_start3A_5 = tpu.memref_slice %arg11[%dma_start3A, %dma_start3A_4] : memref<200x128xf32, #tpu.memory_space<vmem>> -> memref<128x128xf32, #tpu.memory_space<vmem>>
    %dma_start3A_6 = arith.constant 0 : i32
    %dma_start3A_7 = arith.constant 0 : i32
    %dma_start3A_8 = tpu.memref_slice %arg4[%dma_start3A_6, %dma_start3A_7] : memref<1000000x128xf32, #tpu.memory_space<hbm>> -> memref<1000000x128xf32, #tpu.memory_space<hbm>>
    tpu.enqueue_indirect_dma source(%dma_start3A_8 : memref<1000000x128xf32, #tpu.memory_space<hbm>>) target(%dma_start3A_5 : memref<128x128xf32, #tpu.memory_space<vmem>>) offsets(%arg7 : memref<128xi32, #tpu.memory_space<vmem>>) semaphore(%arg14 : memref<!tpu.dma_semaphore, #tpu.memory_space<semaphore_mem>>)
    %dma_wait3A = arith.constant 0 : i32
    %dma_wait3A_9 = arith.constant 0 : i32
    %dma_wait3A_10 = tpu.memref_slice %arg11[%dma_wait3A, %dma_wait3A_9] : memref<200x128xf32, #tpu.memory_space<vmem>> -> memref<128x128xf32, #tpu.memory_space<vmem>>
    %dma_wait3A_11 = arith.constant 0 : i32
    %dma_wait3A_12 = arith.constant 0 : i32
    %dma_wait3A_13 = tpu.memref_slice %arg4[%dma_wait3A_11, %dma_wait3A_12] : memref<1000000x128xf32, #tpu.memory_space<hbm>> -> memref<1000000x128xf32, #tpu.memory_space<hbm>>
    tpu.wait_indirect_dma semaphore(%arg14 : memref<!tpu.dma_semaphore, #tpu.memory_space<semaphore_mem>>) src(%dma_wait3A_13 : memref<1000000x128xf32, #tpu.memory_space<hbm>>) dst(%dma_wait3A_10 : memref<128x128xf32, #tpu.memory_space<vmem>>)
    "tpu.region"() ({
      %run_scoped3A = tpu.sem_alloc : memref<!tpu.dma_semaphore, #tpu.memory_space<semaphore_mem>>
      %dma_start3A_36 = arith.constant 0 : i32
      %dma_start3A_37 = arith.constant 0 : i32
      %dma_start3A_38 = tpu.memref_slice %arg11[%dma_start3A_36, %dma_start3A_37] : memref<200x128xf32, #tpu.memory_space<vmem>> -> memref<128x128xf32, #tpu.memory_space<vmem>>
      %dma_start3A_39 = arith.constant 0 : i32
      %dma_start3A_40 = tpu.memref_slice %arg6[%mul3A_2, %dma_start3A_39] : memref<4096x128xf32, #tpu.memory_space<hbm>> -> memref<128x128xf32, #tpu.memory_space<hbm>>
      %dma_start3A_41 = arith.constant 0 : i32
      %dma_start3A_42 = tpu.memref_slice %arg6[%mul3A_2, %dma_start3A_41] : memref<4096x128xf32, #tpu.memory_space<hbm>> -> memref<128x128xf32, #tpu.memory_space<hbm>>
      %dma_start3A_43 = arith.constant 0 : i32
      %dma_start3A_44 = arith.constant 0 : i32
      %dma_start3A_45 = tpu.memref_slice %arg11[%dma_start3A_43, %dma_start3A_44] : memref<200x128xf32, #tpu.memory_space<vmem>> -> memref<128x128xf32, #tpu.memory_space<vmem>>
      tpu.enqueue_dma source(%dma_start3A_45 : memref<128x128xf32, #tpu.memory_space<vmem>>) target(%dma_start3A_42 : memref<128x128xf32, #tpu.memory_space<hbm>>) target_semaphore(%run_scoped3A : memref<!tpu.dma_semaphore, #tpu.memory_space<semaphore_mem>>)
      %dma_wait3A_46 = arith.constant 0 : i32
      %dma_wait3A_47 = arith.constant 0 : i32
      %dma_wait3A_48 = tpu.memref_slice %arg11[%dma_wait3A_46, %dma_wait3A_47] : memref<200x128xf32, #tpu.memory_space<vmem>> -> memref<128x128xf32, #tpu.memory_space<vmem>>
      %dma_wait3A_49 = arith.constant 0 : i32
      %dma_wait3A_50 = tpu.memref_slice %arg6[%mul3A_2, %dma_wait3A_49] : memref<4096x128xf32, #tpu.memory_space<hbm>> -> memref<128x128xf32, #tpu.memory_space<hbm>>
      %dma_wait3A_51 = arith.constant 0 : i32
      %dma_wait3A_52 = tpu.memref_slice %arg6[%mul3A_2, %dma_wait3A_51] : memref<4096x128xf32, #tpu.memory_space<hbm>> -> memref<128x128xf32, #tpu.memory_space<hbm>>
      %dma_wait3A_53 = arith.constant 0 : i32
      %dma_wait3A_54 = arith.constant 0 : i32
      %dma_wait3A_55 = tpu.memref_slice %arg11[%dma_wait3A_53, %dma_wait3A_54] : memref<200x128xf32, #tpu.memory_space<vmem>> -> memref<128x128xf32, #tpu.memory_space<vmem>>
      tpu.wait_dma2 semaphore(%run_scoped3A : memref<!tpu.dma_semaphore, #tpu.memory_space<semaphore_mem>>) src(%dma_wait3A_55 : memref<128x128xf32, #tpu.memory_space<vmem>>) dst(%dma_wait3A_52 : memref<128x128xf32, #tpu.memory_space<hbm>>)
      tpu.yield
    }) : () -> ()
    %mul3A_14 = arith.constant 200 : i32
    %mul3A_15 = arith.muli %mul3A_2, %mul3A_14 : i32
    "tpu.region"() ({
      %run_scoped3A = tpu.sem_alloc : memref<!tpu.dma_semaphore, #tpu.memory_space<semaphore_mem>>
      %dma_start3A_36 = tpu.memref_slice %arg2[%mul3A_15] : memref<819200xi32, #tpu.memory_space<hbm>> -> memref<128xi32, #tpu.memory_space<hbm>>
      %dma_start3A_37 = tpu.memref_slice %arg2[%mul3A_15] : memref<819200xi32, #tpu.memory_space<hbm>> -> memref<128xi32, #tpu.memory_space<hbm>>
      tpu.enqueue_dma source(%dma_start3A_37 : memref<128xi32, #tpu.memory_space<hbm>>) target(%arg7 : memref<128xi32, #tpu.memory_space<vmem>>) target_semaphore(%run_scoped3A : memref<!tpu.dma_semaphore, #tpu.memory_space<semaphore_mem>>)
      %dma_wait3A_38 = tpu.memref_slice %arg2[%mul3A_15] : memref<819200xi32, #tpu.memory_space<hbm>> -> memref<128xi32, #tpu.memory_space<hbm>>
      %dma_wait3A_39 = tpu.memref_slice %arg2[%mul3A_15] : memref<819200xi32, #tpu.memory_space<hbm>> -> memref<128xi32, #tpu.memory_space<hbm>>
      tpu.wait_dma2 semaphore(%run_scoped3A : memref<!tpu.dma_semaphore, #tpu.memory_space<semaphore_mem>>) src(%dma_wait3A_39 : memref<128xi32, #tpu.memory_space<hbm>>) dst(%arg7 : memref<128xi32, #tpu.memory_space<vmem>>)
      tpu.yield
    }) : () -> ()
    %mul3A_16 = arith.constant 200 : i32
    %mul3A_17 = arith.muli %mul3A_2, %mul3A_16 : i32
    %add3A_18 = arith.constant 128 : i32
    %add3A_19 = arith.addi %mul3A_17, %add3A_18 : i32
    "tpu.region"() ({
      %run_scoped3A = tpu.sem_alloc : memref<!tpu.dma_semaphore, #tpu.memory_space<semaphore_mem>>
      %dma_start3A_36 = tpu.memref_slice %arg2[%add3A_19] : memref<819200xi32, #tpu.memory_space<hbm>> -> memref<72xi32, #tpu.memory_space<hbm>>
      %dma_start3A_37 = tpu.memref_slice %arg2[%add3A_19] : memref<819200xi32, #tpu.memory_space<hbm>> -> memref<72xi32, #tpu.memory_space<hbm>>
      tpu.enqueue_dma source(%dma_start3A_37 : memref<72xi32, #tpu.memory_space<hbm>>) target(%arg8 : memref<72xi32, #tpu.memory_space<vmem>>) target_semaphore(%run_scoped3A : memref<!tpu.dma_semaphore, #tpu.memory_space<semaphore_mem>>)
      %dma_wait3A_38 = tpu.memref_slice %arg2[%add3A_19] : memref<819200xi32, #tpu.memory_space<hbm>> -> memref<72xi32, #tpu.memory_space<hbm>>
      %dma_wait3A_39 = tpu.memref_slice %arg2[%add3A_19] : memref<819200xi32, #tpu.memory_space<hbm>> -> memref<72xi32, #tpu.memory_space<hbm>>
      tpu.wait_dma2 semaphore(%run_scoped3A : memref<!tpu.dma_semaphore, #tpu.memory_space<semaphore_mem>>) src(%dma_wait3A_39 : memref<72xi32, #tpu.memory_space<hbm>>) dst(%arg8 : memref<72xi32, #tpu.memory_space<vmem>>)
      tpu.yield
    }) : () -> ()
    %dma_start3A_20 = arith.constant 0 : i32
    %dma_start3A_21 = arith.constant 0 : i32
    %dma_start3A_22 = tpu.memref_slice %arg11[%dma_start3A_20, %dma_start3A_21] : memref<200x128xf32, #tpu.memory_space<vmem>> -> memref<128x128xf32, #tpu.memory_space<vmem>>
    %dma_start3A_23 = arith.constant 0 : i32
    %dma_start3A_24 = arith.constant 0 : i32
    %dma_start3A_25 = tpu.memref_slice %arg4[%dma_start3A_23, %dma_start3A_24] : memref<1000000x128xf32, #tpu.memory_space<hbm>> -> memref<1000000x128xf32, #tpu.memory_space<hbm>>
    tpu.enqueue_indirect_dma source(%dma_start3A_25 : memref<1000000x128xf32, #tpu.memory_space<hbm>>) target(%dma_start3A_22 : memref<128x128xf32, #tpu.memory_space<vmem>>) offsets(%arg7 : memref<128xi32, #tpu.memory_space<vmem>>) semaphore(%arg14 : memref<!tpu.dma_semaphore, #tpu.memory_space<semaphore_mem>>)
    %dma_start3A_26 = arith.constant 128 : i32
    %dma_start3A_27 = arith.constant 0 : i32
    %dma_start3A_28 = tpu.memref_slice %arg11[%dma_start3A_26, %dma_start3A_27] : memref<200x128xf32, #tpu.memory_space<vmem>> -> memref<72x128xf32, #tpu.memory_space<vmem>>
    %dma_start3A_29 = arith.constant 0 : i32
    %dma_start3A_30 = arith.constant 0 : i32
    %dma_start3A_31 = tpu.memref_slice %arg4[%dma_start3A_29, %dma_start3A_30] : memref<1000000x128xf32, #tpu.memory_space<hbm>> -> memref<1000000x128xf32, #tpu.memory_space<hbm>>
    tpu.enqueue_indirect_dma source(%dma_start3A_31 : memref<1000000x128xf32, #tpu.memory_space<hbm>>) target(%dma_start3A_28 : memref<72x128xf32, #tpu.memory_space<vmem>>) offsets(%arg8 : memref<72xi32, #tpu.memory_space<vmem>>) semaphore(%arg14 : memref<!tpu.dma_semaphore, #tpu.memory_space<semaphore_mem>>)
    %scan3A = arith.constant 0 : i32
    %scan3A_32 = arith.constant 64 : i32
    %scan3A_33 = arith.addi %scan3A, %scan3A_32 : i32
    %scan3A_34 = arith.constant 1 : i32
    scf.for %scan3A_36 = %scan3A to %scan3A_33 step %scan3A_34  : i32 {
      %mul3A_37 = arith.constant 2 : i32
      %mul3A_38 = arith.muli %scan3A_36, %mul3A_37 : i32
      %add3A_39 = arith.addi %mul3A_2, %mul3A_38 : i32
      %add3A_40 = arith.constant 1 : i32
      %add3A_41 = arith.addi %add3A_39, %add3A_40 : i32
      %mul3A_42 = arith.constant 200 : i32
      %mul3A_43 = arith.muli %add3A_41, %mul3A_42 : i32
      "tpu.region"() ({
        %run_scoped3A = tpu.sem_alloc : memref<!tpu.dma_semaphore, #tpu.memory_space<semaphore_mem>>
        %dma_start3A_129 = tpu.memref_slice %arg2[%mul3A_43] : memref<819200xi32, #tpu.memory_space<hbm>> -> memref<128xi32, #tpu.memory_space<hbm>>
        %dma_start3A_130 = tpu.memref_slice %arg2[%mul3A_43] : memref<819200xi32, #tpu.memory_space<hbm>> -> memref<128xi32, #tpu.memory_space<hbm>>
        tpu.enqueue_dma source(%dma_start3A_130 : memref<128xi32, #tpu.memory_space<hbm>>) target(%arg9 : memref<128xi32, #tpu.memory_space<vmem>>) target_semaphore(%run_scoped3A : memref<!tpu.dma_semaphore, #tpu.memory_space<semaphore_mem>>)
        %dma_wait3A_131 = tpu.memref_slice %arg2[%mul3A_43] : memref<819200xi32, #tpu.memory_space<hbm>> -> memref<128xi32, #tpu.memory_space<hbm>>
        %dma_wait3A_132 = tpu.memref_slice %arg2[%mul3A_43] : memref<819200xi32, #tpu.memory_space<hbm>> -> memref<128xi32, #tpu.memory_space<hbm>>
        tpu.wait_dma2 semaphore(%run_scoped3A : memref<!tpu.dma_semaphore, #tpu.memory_space<semaphore_mem>>) src(%dma_wait3A_132 : memref<128xi32, #tpu.memory_space<hbm>>) dst(%arg9 : memref<128xi32, #tpu.memory_space<vmem>>)
        tpu.yield
      }) : () -> ()
      %mul3A_44 = arith.constant 200 : i32
      %mul3A_45 = arith.muli %add3A_41, %mul3A_44 : i32
      %add3A_46 = arith.constant 128 : i32
      %add3A_47 = arith.addi %mul3A_45, %add3A_46 : i32
      "tpu.region"() ({
        %run_scoped3A = tpu.sem_alloc : memref<!tpu.dma_semaphore, #tpu.memory_space<semaphore_mem>>
        %dma_start3A_129 = tpu.memref_slice %arg2[%add3A_47] : memref<819200xi32, #tpu.memory_space<hbm>> -> memref<72xi32, #tpu.memory_space<hbm>>
        %dma_start3A_130 = tpu.memref_slice %arg2[%add3A_47] : memref<819200xi32, #tpu.memory_space<hbm>> -> memref<72xi32, #tpu.memory_space<hbm>>
        tpu.enqueue_dma source(%dma_start3A_130 : memref<72xi32, #tpu.memory_space<hbm>>) target(%arg10 : memref<72xi32, #tpu.memory_space<vmem>>) target_semaphore(%run_scoped3A : memref<!tpu.dma_semaphore, #tpu.memory_space<semaphore_mem>>)
        %dma_wait3A_131 = tpu.memref_slice %arg2[%add3A_47] : memref<819200xi32, #tpu.memory_space<hbm>> -> memref<72xi32, #tpu.memory_space<hbm>>
        %dma_wait3A_132 = tpu.memref_slice %arg2[%add3A_47] : memref<819200xi32, #tpu.memory_space<hbm>> -> memref<72xi32, #tpu.memory_space<hbm>>
        tpu.wait_dma2 semaphore(%run_scoped3A : memref<!tpu.dma_semaphore, #tpu.memory_space<semaphore_mem>>) src(%dma_wait3A_132 : memref<72xi32, #tpu.memory_space<hbm>>) dst(%arg10 : memref<72xi32, #tpu.memory_space<vmem>>)
        tpu.yield
      }) : () -> ()
      %dma_start3A_48 = arith.constant 0 : i32
      %dma_start3A_49 = arith.constant 0 : i32
      %dma_start3A_50 = tpu.memref_slice %arg12[%dma_start3A_48, %dma_start3A_49] : memref<200x128xf32, #tpu.memory_space<vmem>> -> memref<128x128xf32, #tpu.memory_space<vmem>>
      %dma_start3A_51 = arith.constant 0 : i32
      %dma_start3A_52 = arith.constant 0 : i32
      %dma_start3A_53 = tpu.memref_slice %arg4[%dma_start3A_51, %dma_start3A_52] : memref<1000000x128xf32, #tpu.memory_space<hbm>> -> memref<1000000x128xf32, #tpu.memory_space<hbm>>
      tpu.enqueue_indirect_dma source(%dma_start3A_53 : memref<1000000x128xf32, #tpu.memory_space<hbm>>) target(%dma_start3A_50 : memref<128x128xf32, #tpu.memory_space<vmem>>) offsets(%arg9 : memref<128xi32, #tpu.memory_space<vmem>>) semaphore(%arg15 : memref<!tpu.dma_semaphore, #tpu.memory_space<semaphore_mem>>)
      %dma_start3A_54 = arith.constant 128 : i32
      %dma_start3A_55 = arith.constant 0 : i32
      %dma_start3A_56 = tpu.memref_slice %arg12[%dma_start3A_54, %dma_start3A_55] : memref<200x128xf32, #tpu.memory_space<vmem>> -> memref<72x128xf32, #tpu.memory_space<vmem>>
      %dma_start3A_57 = arith.constant 0 : i32
      %dma_start3A_58 = arith.constant 0 : i32
      %dma_start3A_59 = tpu.memref_slice %arg4[%dma_start3A_57, %dma_start3A_58] : memref<1000000x128xf32, #tpu.memory_space<hbm>> -> memref<1000000x128xf32, #tpu.memory_space<hbm>>
      tpu.enqueue_indirect_dma source(%dma_start3A_59 : memref<1000000x128xf32, #tpu.memory_space<hbm>>) target(%dma_start3A_56 : memref<72x128xf32, #tpu.memory_space<vmem>>) offsets(%arg10 : memref<72xi32, #tpu.memory_space<vmem>>) semaphore(%arg15 : memref<!tpu.dma_semaphore, #tpu.memory_space<semaphore_mem>>)
      %dma_wait3A_60 = arith.constant 0 : i32
      %dma_wait3A_61 = arith.constant 0 : i32
      %dma_wait3A_62 = tpu.memref_slice %arg11[%dma_wait3A_60, %dma_wait3A_61] : memref<200x128xf32, #tpu.memory_space<vmem>> -> memref<128x128xf32, #tpu.memory_space<vmem>>
      %dma_wait3A_63 = arith.constant 0 : i32
      %dma_wait3A_64 = arith.constant 0 : i32
      %dma_wait3A_65 = tpu.memref_slice %arg4[%dma_wait3A_63, %dma_wait3A_64] : memref<1000000x128xf32, #tpu.memory_space<hbm>> -> memref<1000000x128xf32, #tpu.memory_space<hbm>>
      tpu.wait_indirect_dma semaphore(%arg14 : memref<!tpu.dma_semaphore, #tpu.memory_space<semaphore_mem>>) src(%dma_wait3A_65 : memref<1000000x128xf32, #tpu.memory_space<hbm>>) dst(%dma_wait3A_62 : memref<128x128xf32, #tpu.memory_space<vmem>>)
      %dma_wait3A_66 = arith.constant 128 : i32
      %dma_wait3A_67 = arith.constant 0 : i32
      %dma_wait3A_68 = tpu.memref_slice %arg11[%dma_wait3A_66, %dma_wait3A_67] : memref<200x128xf32, #tpu.memory_space<vmem>> -> memref<72x128xf32, #tpu.memory_space<vmem>>
      %dma_wait3A_69 = arith.constant 0 : i32
      %dma_wait3A_70 = arith.constant 0 : i32
      %dma_wait3A_71 = tpu.memref_slice %arg4[%dma_wait3A_69, %dma_wait3A_70] : memref<1000000x128xf32, #tpu.memory_space<hbm>> -> memref<1000000x128xf32, #tpu.memory_space<hbm>>
      tpu.wait_indirect_dma semaphore(%arg14 : memref<!tpu.dma_semaphore, #tpu.memory_space<semaphore_mem>>) src(%dma_wait3A_71 : memref<1000000x128xf32, #tpu.memory_space<hbm>>) dst(%dma_wait3A_68 : memref<72x128xf32, #tpu.memory_space<vmem>>)
      %mul3A_72 = arith.constant 2 : i32
      %mul3A_73 = arith.muli %scan3A_36, %mul3A_72 : i32
      %scan3A_74 = arith.constant 0 : i32
      %scan3A_75 = arith.constant 100 : i32
      %scan3A_76 = arith.addi %scan3A_74, %scan3A_75 : i32
      %scan3A_77 = arith.constant 1 : i32
      %scan3A_78:4 = scf.for %scan3A_129 = %scan3A_74 to %scan3A_76 step %scan3A_77 iter_args(%scan3A_130 = %broadcast_in_dim3A_3, %scan3A_131 = %broadcast_in_dim3A_3, %scan3A_132 = %broadcast_in_dim3A_3, %scan3A_133 = %broadcast_in_dim3A_3) -> (vector<16xf32>, vector<16xf32>, vector<16xf32>, vector<16xf32>)  : i32 {
        %mul3A_134 = arith.constant 2 : i32
        %mul3A_135 = arith.muli %scan3A_129, %mul3A_134 : i32
        %get3A = arith.index_cast %mul3A_135 : i32 to index
        %get3A_136 = arith.constant 0 : index
        %get3A_137 = tpu.vector_load %arg11[%get3A, %get3A_136] {strides = array<i32>} : memref<200x128xf32, #tpu.memory_space<vmem>>, vector<16xf32>,
        %add3A_138 = arith.addf %scan3A_130, %get3A_137 : vector<16xf32>
        %add3A_139 = arith.constant 1 : i32
        %add3A_140 = arith.addi %mul3A_135, %add3A_139 : i32
        %get3A_141 = arith.index_cast %add3A_140 : i32 to index
        %get3A_142 = arith.constant 0 : index
        %get3A_143 = tpu.vector_load %arg11[%get3A_141, %get3A_142] {strides = array<i32>} : memref<200x128xf32, #tpu.memory_space<vmem>>, vector<16xf32>,
        %add3A_144 = arith.addf %add3A_138, %get3A_143 : vector<16xf32>
        %get3A_145 = arith.index_cast %mul3A_135 : i32 to index
        %get3A_146 = arith.constant 16 : index
        %get3A_147 = tpu.vector_load %arg11[%get3A_145, %get3A_146] {strides = array<i32>} : memref<200x128xf32, #tpu.memory_space<vmem>>, vector<16xf32>,
        %add3A_148 = arith.addf %scan3A_131, %get3A_147 : vector<16xf32>
        %add3A_149 = arith.constant 1 : i32
        %add3A_150 = arith.addi %mul3A_135, %add3A_149 : i32
        %get3A_151 = arith.index_cast %add3A_150 : i32 to index
        %get3A_152 = arith.constant 16 : index
        %get3A_153 = tpu.vector_load %arg11[%get3A_151, %get3A_152] {strides = array<i32>} : memref<200x128xf32, #tpu.memory_space<vmem>>, vector<16xf32>,
        %add3A_154 = arith.addf %add3A_148, %get3A_153 : vector<16xf32>
        %get3A_155 = arith.index_cast %mul3A_135 : i32 to index
        %get3A_156 = arith.constant 32 : index
        %get3A_157 = tpu.vector_load %arg11[%get3A_155, %get3A_156] {strides = array<i32>} : memref<200x128xf32, #tpu.memory_space<vmem>>, vector<16xf32>,
        %add3A_158 = arith.addf %scan3A_132, %get3A_157 : vector<16xf32>
        %add3A_159 = arith.constant 1 : i32
        %add3A_160 = arith.addi %mul3A_135, %add3A_159 : i32
        %get3A_161 = arith.index_cast %add3A_160 : i32 to index
        %get3A_162 = arith.constant 32 : index
        %get3A_163 = tpu.vector_load %arg11[%get3A_161, %get3A_162] {strides = array<i32>} : memref<200x128xf32, #tpu.memory_space<vmem>>, vector<16xf32>,
        %add3A_164 = arith.addf %add3A_158, %get3A_163 : vector<16xf32>
        %get3A_165 = arith.index_cast %mul3A_135 : i32 to index
        %get3A_166 = arith.constant 48 : index
        %get3A_167 = tpu.vector_load %arg11[%get3A_165, %get3A_166] {strides = array<i32>} : memref<200x128xf32, #tpu.memory_space<vmem>>, vector<16xf32>,
        %add3A_168 = arith.addf %scan3A_133, %get3A_167 : vector<16xf32>
        %add3A_169 = arith.constant 1 : i32
        %add3A_170 = arith.addi %mul3A_135, %add3A_169 : i32
        %get3A_171 = arith.index_cast %add3A_170 : i32 to index
        %get3A_172 = arith.constant 48 : index
        %get3A_173 = tpu.vector_load %arg11[%get3A_171, %get3A_172] {strides = array<i32>} : memref<200x128xf32, #tpu.memory_space<vmem>>, vector<16xf32>,
        %add3A_174 = arith.addf %add3A_168, %get3A_173 : vector<16xf32>
        scf.yield %add3A_144, %add3A_154, %add3A_164, %add3A_174 : vector<16xf32>, vector<16xf32>, vector<16xf32>, vector<16xf32>
      }
      %scan3A_79 = arith.constant 100 : i32
      %swap3A = arith.index_cast %mul3A_73 : i32 to index
      %swap3A_80 = arith.constant 0 : index
      %swap3A_81 = tpu.vector_load %arg13[%swap3A, %swap3A_80] {strides = array<i32>} : memref<128x64xf32, #tpu.memory_space<vmem>>, vector<16xf32>,
      tpu.vector_store %arg13[%swap3A, %swap3A_80], %scan3A_78#0 {strides = array<i32>} : memref<128x64xf32, #tpu.memory_space<vmem>>, vector<16xf32>,
      %swap3A_82 = arith.index_cast %mul3A_73 : i32 to index
      %swap3A_83 = arith.constant 16 : index
      %swap3A_84 = tpu.vector_load %arg13[%swap3A_82, %swap3A_83] {strides = array<i32>} : memref<128x64xf32, #tpu.memory_space<vmem>>, vector<16xf32>,
      tpu.vector_store %arg13[%swap3A_82, %swap3A_83], %scan3A_78#1 {strides = array<i32>} : memref<128x64xf32, #tpu.memory_space<vmem>>, vector<16xf32>,
      %swap3A_85 = arith.index_cast %mul3A_73 : i32 to index
      %swap3A_86 = arith.constant 32 : index
      %swap3A_87 = tpu.vector_load %arg13[%swap3A_85, %swap3A_86] {strides = array<i32>} : memref<128x64xf32, #tpu.memory_space<vmem>>, vector<16xf32>,
      tpu.vector_store %arg13[%swap3A_85, %swap3A_86], %scan3A_78#2 {strides = array<i32>} : memref<128x64xf32, #tpu.memory_space<vmem>>, vector<16xf32>,
      %swap3A_88 = arith.index_cast %mul3A_73 : i32 to index
      %swap3A_89 = arith.constant 48 : index
      %swap3A_90 = tpu.vector_load %arg13[%swap3A_88, %swap3A_89] {strides = array<i32>} : memref<128x64xf32, #tpu.memory_space<vmem>>, vector<16xf32>,
      tpu.vector_store %arg13[%swap3A_88, %swap3A_89], %scan3A_78#3 {strides = array<i32>} : memref<128x64xf32, #tpu.memory_space<vmem>>, vector<16xf32>,
      %add3A_91 = arith.constant 1 : i32
      %add3A_92 = arith.addi %scan3A_36, %add3A_91 : i32
      %lt3A = arith.constant 64 : i32
      %lt3A_93 = arith.cmpi slt, %add3A_92, %lt3A : i32
      %convert_element_type3A = arith.extui %lt3A_93 : i1 to i32
      %cond3A = arith.constant 0 : i32
      %cond3A_94 = arith.cmpi ne, %convert_element_type3A, %cond3A : i32
      scf.if %cond3A_94 {
        %add3A_129 = arith.constant 2 : i32
        %add3A_130 = arith.addi %add3A_39, %add3A_129 : i32
        %mul3A_131 = arith.constant 200 : i32
        %mul3A_132 = arith.muli %add3A_130, %mul3A_131 : i32
        "tpu.region"() ({
          %run_scoped3A = tpu.sem_alloc : memref<!tpu.dma_semaphore, #tpu.memory_space<semaphore_mem>>
          %dma_start3A_149 = tpu.memref_slice %arg2[%mul3A_132] : memref<819200xi32, #tpu.memory_space<hbm>> -> memref<128xi32, #tpu.memory_space<hbm>>
          %dma_start3A_150 = tpu.memref_slice %arg2[%mul3A_132] : memref<819200xi32, #tpu.memory_space<hbm>> -> memref<128xi32, #tpu.memory_space<hbm>>
          tpu.enqueue_dma source(%dma_start3A_150 : memref<128xi32, #tpu.memory_space<hbm>>) target(%arg7 : memref<128xi32, #tpu.memory_space<vmem>>) target_semaphore(%run_scoped3A : memref<!tpu.dma_semaphore, #tpu.memory_space<semaphore_mem>>)
          %dma_wait3A_151 = tpu.memref_slice %arg2[%mul3A_132] : memref<819200xi32, #tpu.memory_space<hbm>> -> memref<128xi32, #tpu.memory_space<hbm>>
          %dma_wait3A_152 = tpu.memref_slice %arg2[%mul3A_132] : memref<819200xi32, #tpu.memory_space<hbm>> -> memref<128xi32, #tpu.memory_space<hbm>>
          tpu.wait_dma2 semaphore(%run_scoped3A : memref<!tpu.dma_semaphore, #tpu.memory_space<semaphore_mem>>) src(%dma_wait3A_152 : memref<128xi32, #tpu.memory_space<hbm>>) dst(%arg7 : memref<128xi32, #tpu.memory_space<vmem>>)
          tpu.yield
        }) : () -> ()
        %mul3A_133 = arith.constant 200 : i32
        %mul3A_134 = arith.muli %add3A_130, %mul3A_133 : i32
        %add3A_135 = arith.constant 128 : i32
        %add3A_136 = arith.addi %mul3A_134, %add3A_135 : i32
        "tpu.region"() ({
          %run_scoped3A = tpu.sem_alloc : memref<!tpu.dma_semaphore, #tpu.memory_space<semaphore_mem>>
          %dma_start3A_149 = tpu.memref_slice %arg2[%add3A_136] : memref<819200xi32, #tpu.memory_space<hbm>> -> memref<72xi32, #tpu.memory_space<hbm>>
          %dma_start3A_150 = tpu.memref_slice %arg2[%add3A_136] : memref<819200xi32, #tpu.memory_space<hbm>> -> memref<72xi32, #tpu.memory_space<hbm>>
          tpu.enqueue_dma source(%dma_start3A_150 : memref<72xi32, #tpu.memory_space<hbm>>) target(%arg8 : memref<72xi32, #tpu.memory_space<vmem>>) target_semaphore(%run_scoped3A : memref<!tpu.dma_semaphore, #tpu.memory_space<semaphore_mem>>)
          %dma_wait3A_151 = tpu.memref_slice %arg2[%add3A_136] : memref<819200xi32, #tpu.memory_space<hbm>> -> memref<72xi32, #tpu.memory_space<hbm>>
          %dma_wait3A_152 = tpu.memref_slice %arg2[%add3A_136] : memref<819200xi32, #tpu.memory_space<hbm>> -> memref<72xi32, #tpu.memory_space<hbm>>
          tpu.wait_dma2 semaphore(%run_scoped3A : memref<!tpu.dma_semaphore, #tpu.memory_space<semaphore_mem>>) src(%dma_wait3A_152 : memref<72xi32, #tpu.memory_space<hbm>>) dst(%arg8 : memref<72xi32, #tpu.memory_space<vmem>>)
          tpu.yield
        }) : () -> ()
        %dma_start3A_137 = arith.constant 0 : i32
        %dma_start3A_138 = arith.constant 0 : i32
        %dma_start3A_139 = tpu.memref_slice %arg11[%dma_start3A_137, %dma_start3A_138] : memref<200x128xf32, #tpu.memory_space<vmem>> -> memref<128x128xf32, #tpu.memory_space<vmem>>
        %dma_start3A_140 = arith.constant 0 : i32
        %dma_start3A_141 = arith.constant 0 : i32
        %dma_start3A_142 = tpu.memref_slice %arg4[%dma_start3A_140, %dma_start3A_141] : memref<1000000x128xf32, #tpu.memory_space<hbm>> -> memref<1000000x128xf32, #tpu.memory_space<hbm>>
        tpu.enqueue_indirect_dma source(%dma_start3A_142 : memref<1000000x128xf32, #tpu.memory_space<hbm>>) target(%dma_start3A_139 : memref<128x128xf32, #tpu.memory_space<vmem>>) offsets(%arg7 : memref<128xi32, #tpu.memory_space<vmem>>) semaphore(%arg14 : memref<!tpu.dma_semaphore, #tpu.memory_space<semaphore_mem>>)
        %dma_start3A_143 = arith.constant 128 : i32
        %dma_start3A_144 = arith.constant 0 : i32
        %dma_start3A_145 = tpu.memref_slice %arg11[%dma_start3A_143, %dma_start3A_144] : memref<200x128xf32, #tpu.memory_space<vmem>> -> memref<72x128xf32, #tpu.memory_space<vmem>>
        %dma_start3A_146 = arith.constant 0 : i32
        %dma_start3A_147 = arith.constant 0 : i32
        %dma_start3A_148 = tpu.memref_slice %arg4[%dma_start3A_146, %dma_start3A_147] : memref<1000000x128xf32, #tpu.memory_space<hbm>> -> memref<1000000x128xf32, #tpu.memory_space<hbm>>
        tpu.enqueue_indirect_dma source(%dma_start3A_148 : memref<1000000x128xf32, #tpu.memory_space<hbm>>) target(%dma_start3A_145 : memref<72x128xf32, #tpu.memory_space<vmem>>) offsets(%arg8 : memref<72xi32, #tpu.memory_space<vmem>>) semaphore(%arg14 : memref<!tpu.dma_semaphore, #tpu.memory_space<semaphore_mem>>)
      } else {
      }
      %dma_wait3A_95 = arith.constant 0 : i32
      %dma_wait3A_96 = arith.constant 0 : i32
      %dma_wait3A_97 = tpu.memref_slice %arg12[%dma_wait3A_95, %dma_wait3A_96] : memref<200x128xf32, #tpu.memory_space<vmem>> -> memref<128x128xf32, #tpu.memory_space<vmem>>
      %dma_wait3A_98 = arith.constant 0 : i32
      %dma_wait3A_99 = arith.constant 0 : i32
      %dma_wait3A_100 = tpu.memref_slice %arg4[%dma_wait3A_98, %dma_wait3A_99] : memref<1000000x128xf32, #tpu.memory_space<hbm>> -> memref<1000000x128xf32, #tpu.memory_space<hbm>>
      tpu.wait_indirect_dma semaphore(%arg15 : memref<!tpu.dma_semaphore, #tpu.memory_space<semaphore_mem>>) src(%dma_wait3A_100 : memref<1000000x128xf32, #tpu.memory_space<hbm>>) dst(%dma_wait3A_97 : memref<128x128xf32, #tpu.memory_space<vmem>>)
      %dma_wait3A_101 = arith.constant 128 : i32
      %dma_wait3A_102 = arith.constant 0 : i32
      %dma_wait3A_103 = tpu.memref_slice %arg12[%dma_wait3A_101, %dma_wait3A_102] : memref<200x128xf32, #tpu.memory_space<vmem>> -> memref<72x128xf32, #tpu.memory_space<vmem>>
      %dma_wait3A_104 = arith.constant 0 : i32
      %dma_wait3A_105 = arith.constant 0 : i32
      %dma_wait3A_106 = tpu.memref_slice %arg4[%dma_wait3A_104, %dma_wait3A_105] : memref<1000000x128xf32, #tpu.memory_space<hbm>> -> memref<1000000x128xf32, #tpu.memory_space<hbm>>
      tpu.wait_indirect_dma semaphore(%arg15 : memref<!tpu.dma_semaphore, #tpu.memory_space<semaphore_mem>>) src(%dma_wait3A_106 : memref<1000000x128xf32, #tpu.memory_space<hbm>>) dst(%dma_wait3A_103 : memref<72x128xf32, #tpu.memory_space<vmem>>)
      %mul3A_107 = arith.constant 2 : i32
      %mul3A_108 = arith.muli %scan3A_36, %mul3A_107 : i32
      %add3A_109 = arith.constant 1 : i32
      %add3A_110 = arith.addi %mul3A_108, %add3A_109 : i32
      %scan3A_111 = arith.constant 0 : i32
      %scan3A_112 = arith.constant 100 : i32
      %scan3A_113 = arith.addi %scan3A_111, %scan3A_112 : i32
      %scan3A_114 = arith.constant 1 : i32
      %scan3A_115:4 = scf.for %scan3A_129 = %scan3A_111 to %scan3A_113 step %scan3A_114 iter_args(%scan3A_130 = %broadcast_in_dim3A_3, %scan3A_131 = %broadcast_in_dim3A_3, %scan3A_132 = %broadcast_in_dim3A_3, %scan3A_133 = %broadcast_in_dim3A_3) -> (vector<16xf32>, vector<16xf32>, vector<16xf32>, vector<16xf32>)  : i32 {
        %mul3A_134 = arith.constant 2 : i32
        %mul3A_135 = arith.muli %scan3A_129, %mul3A_134 : i32
        %get3A = arith.index_cast %mul3A_135 : i32 to index
        %get3A_136 = arith.constant 0 : index
        %get3A_137 = tpu.vector_load %arg12[%get3A, %get3A_136] {strides = array<i32>} : memref<200x128xf32, #tpu.memory_space<vmem>>, vector<16xf32>,
        %add3A_138 = arith.addf %scan3A_130, %get3A_137 : vector<16xf32>
        %add3A_139 = arith.constant 1 : i32
        %add3A_140 = arith.addi %mul3A_135, %add3A_139 : i32
        %get3A_141 = arith.index_cast %add3A_140 : i32 to index
        %get3A_142 = arith.constant 0 : index
        %get3A_143 = tpu.vector_load %arg12[%get3A_141, %get3A_142] {strides = array<i32>} : memref<200x128xf32, #tpu.memory_space<vmem>>, vector<16xf32>,
        %add3A_144 = arith.addf %add3A_138, %get3A_143 : vector<16xf32>
        %get3A_145 = arith.index_cast %mul3A_135 : i32 to index
        %get3A_146 = arith.constant 16 : index
        %get3A_147 = tpu.vector_load %arg12[%get3A_145, %get3A_146] {strides = array<i32>} : memref<200x128xf32, #tpu.memory_space<vmem>>, vector<16xf32>,
        %add3A_148 = arith.addf %scan3A_131, %get3A_147 : vector<16xf32>
        %add3A_149 = arith.constant 1 : i32
        %add3A_150 = arith.addi %mul3A_135, %add3A_149 : i32
        %get3A_151 = arith.index_cast %add3A_150 : i32 to index
        %get3A_152 = arith.constant 16 : index
        %get3A_153 = tpu.vector_load %arg12[%get3A_151, %get3A_152] {strides = array<i32>} : memref<200x128xf32, #tpu.memory_space<vmem>>, vector<16xf32>,
        %add3A_154 = arith.addf %add3A_148, %get3A_153 : vector<16xf32>
        %get3A_155 = arith.index_cast %mul3A_135 : i32 to index
        %get3A_156 = arith.constant 32 : index
        %get3A_157 = tpu.vector_load %arg12[%get3A_155, %get3A_156] {strides = array<i32>} : memref<200x128xf32, #tpu.memory_space<vmem>>, vector<16xf32>,
        %add3A_158 = arith.addf %scan3A_132, %get3A_157 : vector<16xf32>
        %add3A_159 = arith.constant 1 : i32
        %add3A_160 = arith.addi %mul3A_135, %add3A_159 : i32
        %get3A_161 = arith.index_cast %add3A_160 : i32 to index
        %get3A_162 = arith.constant 32 : index
        %get3A_163 = tpu.vector_load %arg12[%get3A_161, %get3A_162] {strides = array<i32>} : memref<200x128xf32, #tpu.memory_space<vmem>>, vector<16xf32>,
        %add3A_164 = arith.addf %add3A_158, %get3A_163 : vector<16xf32>
        %get3A_165 = arith.index_cast %mul3A_135 : i32 to index
        %get3A_166 = arith.constant 48 : index
        %get3A_167 = tpu.vector_load %arg12[%get3A_165, %get3A_166] {strides = array<i32>} : memref<200x128xf32, #tpu.memory_space<vmem>>, vector<16xf32>,
        %add3A_168 = arith.addf %scan3A_133, %get3A_167 : vector<16xf32>
        %add3A_169 = arith.constant 1 : i32
        %add3A_170 = arith.addi %mul3A_135, %add3A_169 : i32
        %get3A_171 = arith.index_cast %add3A_170 : i32 to index
        %get3A_172 = arith.constant 48 : index
        %get3A_173 = tpu.vector_load %arg12[%get3A_171, %get3A_172] {strides = array<i32>} : memref<200x128xf32, #tpu.memory_space<vmem>>, vector<16xf32>,
        %add3A_174 = arith.addf %add3A_168, %get3A_173 : vector<16xf32>
        scf.yield %add3A_144, %add3A_154, %add3A_164, %add3A_174 : vector<16xf32>, vector<16xf32>, vector<16xf32>, vector<16xf32>
      }
      %scan3A_116 = arith.constant 100 : i32
      %swap3A_117 = arith.index_cast %add3A_110 : i32 to index
      %swap3A_118 = arith.constant 0 : index
      %swap3A_119 = tpu.vector_load %arg13[%swap3A_117, %swap3A_118] {strides = array<i32>} : memref<128x64xf32, #tpu.memory_space<vmem>>, vector<16xf32>,
      tpu.vector_store %arg13[%swap3A_117, %swap3A_118], %scan3A_115#0 {strides = array<i32>} : memref<128x64xf32, #tpu.memory_space<vmem>>, vector<16xf32>,
      %swap3A_120 = arith.index_cast %add3A_110 : i32 to index
      %swap3A_121 = arith.constant 16 : index
      %swap3A_122 = tpu.vector_load %arg13[%swap3A_120, %swap3A_121] {strides = array<i32>} : memref<128x64xf32, #tpu.memory_space<vmem>>, vector<16xf32>,
      tpu.vector_store %arg13[%swap3A_120, %swap3A_121], %scan3A_115#1 {strides = array<i32>} : memref<128x64xf32, #tpu.memory_space<vmem>>, vector<16xf32>,
      %swap3A_123 = arith.index_cast %add3A_110 : i32 to index
      %swap3A_124 = arith.constant 32 : index
      %swap3A_125 = tpu.vector_load %arg13[%swap3A_123, %swap3A_124] {strides = array<i32>} : memref<128x64xf32, #tpu.memory_space<vmem>>, vector<16xf32>,
      tpu.vector_store %arg13[%swap3A_123, %swap3A_124], %scan3A_115#2 {strides = array<i32>} : memref<128x64xf32, #tpu.memory_space<vmem>>, vector<16xf32>,
      %swap3A_126 = arith.index_cast %add3A_110 : i32 to index
      %swap3A_127 = arith.constant 48 : index
      %swap3A_128 = tpu.vector_load %arg13[%swap3A_126, %swap3A_127] {strides = array<i32>} : memref<128x64xf32, #tpu.memory_space<vmem>>, vector<16xf32>,
      tpu.vector_store %arg13[%swap3A_126, %swap3A_127], %scan3A_115#3 {strides = array<i32>} : memref<128x64xf32, #tpu.memory_space<vmem>>, vector<16xf32>,
    }
    %scan3A_35 = arith.constant 64 : i32
    "tpu.region"() ({
      %run_scoped3A = tpu.sem_alloc : memref<!tpu.dma_semaphore, #tpu.memory_space<semaphore_mem>>
      %dma_start3A_36 = arith.constant 0 : i32
      %dma_start3A_37 = tpu.memref_slice %arg5[%mul3A_2, %dma_start3A_36] : memref<4096x64xf32, #tpu.memory_space<hbm>> -> memref<128x64xf32, #tpu.memory_space<hbm>>
      %dma_start3A_38 = arith.constant 0 : i32
      %dma_start3A_39 = tpu.memref_slice %arg5[%mul3A_2, %dma_start3A_38] : memref<4096x64xf32, #tpu.memory_space<hbm>> -> memref<128x64xf32, #tpu.memory_space<hbm>>
      tpu.enqueue_dma source(%arg13 : memref<128x64xf32, #tpu.memory_space<vmem>>) target(%dma_start3A_39 : memref<128x64xf32, #tpu.memory_space<hbm>>) target_semaphore(%run_scoped3A : memref<!tpu.dma_semaphore, #tpu.memory_space<semaphore_mem>>)
      %dma_wait3A_40 = arith.constant 0 : i32
      %dma_wait3A_41 = tpu.memref_slice %arg5[%mul3A_2, %dma_wait3A_40] : memref<4096x64xf32, #tpu.memory_space<hbm>> -> memref<128x64xf32, #tpu.memory_space<hbm>>
      %dma_wait3A_42 = arith.constant 0 : i32
      %dma_wait3A_43 = tpu.memref_slice %arg5[%mul3A_2, %dma_wait3A_42] : memref<4096x64xf32, #tpu.memory_space<hbm>> -> memref<128x64xf32, #tpu.memory_space<hbm>>
      tpu.wait_dma2 semaphore(%run_scoped3A : memref<!tpu.dma_semaphore, #tpu.memory_space<semaphore_mem>>) src(%arg13 : memref<128x64xf32, #tpu.memory_space<vmem>>) dst(%dma_wait3A_43 : memref<128x64xf32, #tpu.memory_space<hbm>>)
      tpu.yield
    }) : () -> ()
    return
  }
}

#map = affine_map<(d0, d1) -> (0)>
#map1 = affine_map<(d0, d1) -> (0, 0)>
module attributes {stable_mosaic.version = 14 : i64} {
  func.func @_sc_hist_body(%arg0: i32, %arg1: i32, %arg2: memref<819200xi32, #tpu.memory_space<hbm>>, %arg3: memref<819200xi32, #tpu.memory_space<hbm>>, %arg4: memref<819200xi32, #tpu.memory_space<hbm>>, %arg5: memref<819200xi32, #tpu.memory_space<hbm>>, %arg6: memref<4096xi32, #tpu.memory_space<hbm>>, %arg7: memref<4096xi32, #tpu.memory_space<hbm>>, %arg8: memref<4096xi32, #tpu.memory_space<hbm>>, %arg9: memref<1000x128xf32, #tpu.memory_space<hbm>>, %arg10: memref<120x128xf32, #tpu.memory_space<hbm>>, %arg11: memref<5x128xf32, #tpu.memory_space<hbm>>, %arg12: memref<4096x1008xf32, #tpu.memory_space<hbm>>, %arg13: memref<4096x16xf32, #tpu.memory_space<hbm>>, %arg14: memref<4096x16xf32, #tpu.memory_space<hbm>>, %arg15: memref<4096x128xf32, #tpu.memory_space<hbm>>, %arg16: memref<4096x128xf32, #tpu.memory_space<hbm>>, %arg17: memref<4096x128xf32, #tpu.memory_space<hbm>>, %arg18: memref<128xi32, #tpu.memory_space<vmem>>, %arg19: memref<128x128xf32, #tpu.memory_space<vmem>>, %arg20: memref<3200xi32, #tpu.memory_space<vmem>>, %arg21: memref<3200xi32, #tpu.memory_space<vmem>>, %arg22: memref<3200xi32, #tpu.memory_space<vmem>>, %arg23: memref<3200xi32, #tpu.memory_space<vmem>>, %arg24: memref<16x1008xf32, #tpu.memory_space<vmem>>, %arg25: memref<16x16xf32, #tpu.memory_space<vmem>>, %arg26: memref<16x16xf32, #tpu.memory_space<vmem>>, %arg27: memref<!tpu.dma_semaphore, #tpu.memory_space<semaphore_mem>>) attributes {dimension_semantics = [#tpu.dimension_semantics<core_parallel>, #tpu.dimension_semantics<subcore_parallel>], iteration_bounds = array<i64: 2, 16>, scalar_prefetch = 0 : i64, scratch_operands = 10 : i64, tpu.core_type = #tpu.core_type<sc_vector_subcore>, window_params = [{transform_indices = #map}, {transform_indices = #map}, {transform_indices = #map}, {transform_indices = #map}, {transform_indices = #map}, {transform_indices = #map}, {transform_indices = #map}, {transform_indices = #map1}, {transform_indices = #map1}, {transform_indices = #map1}, {transform_indices = #map1}, {transform_indices = #map1}, {transform_indices = #map1}, {transform_indices = #map1}, {transform_indices = #map1}, {transform_indices = #map1}]} {
    %mul3A = arith.constant 2 : i32
    %mul3A_0 = arith.muli %arg1, %mul3A : i32
    %add3A = arith.addi %mul3A_0, %arg0 : i32
    %mul3A_1 = arith.constant 128 : i32
    %mul3A_2 = arith.muli %add3A, %mul3A_1 : i32
    %broadcast_in_dim3A = arith.constant 0.000000e+00 : f32
    %broadcast_in_dim3A_3 = vector.broadcast %broadcast_in_dim3A : f32 to vector<16xf32>
    %broadcast_in_dim3A_4 = arith.constant 1.000000e+00 : f32
    %broadcast_in_dim3A_5 = vector.broadcast %broadcast_in_dim3A_4 : f32 to vector<16xf32>
    %iota3A = tpu.iota {dimensions = array<i32: 0>} : vector<16xi32>
    "tpu.region"() ({
      %run_scoped3A = tpu.sem_alloc : memref<!tpu.dma_semaphore, #tpu.memory_space<semaphore_mem>>
      %dma_start3A_34 = tpu.memref_slice %arg6[%mul3A_2] : memref<4096xi32, #tpu.memory_space<hbm>> -> memref<128xi32, #tpu.memory_space<hbm>>
      %dma_start3A_35 = tpu.memref_slice %arg6[%mul3A_2] : memref<4096xi32, #tpu.memory_space<hbm>> -> memref<128xi32, #tpu.memory_space<hbm>>
      tpu.enqueue_dma source(%dma_start3A_35 : memref<128xi32, #tpu.memory_space<hbm>>) target(%arg18 : memref<128xi32, #tpu.memory_space<vmem>>) target_semaphore(%run_scoped3A : memref<!tpu.dma_semaphore, #tpu.memory_space<semaphore_mem>>)
      %dma_wait3A_36 = tpu.memref_slice %arg6[%mul3A_2] : memref<4096xi32, #tpu.memory_space<hbm>> -> memref<128xi32, #tpu.memory_space<hbm>>
      %dma_wait3A_37 = tpu.memref_slice %arg6[%mul3A_2] : memref<4096xi32, #tpu.memory_space<hbm>> -> memref<128xi32, #tpu.memory_space<hbm>>
      tpu.wait_dma2 semaphore(%run_scoped3A : memref<!tpu.dma_semaphore, #tpu.memory_space<semaphore_mem>>) src(%dma_wait3A_37 : memref<128xi32, #tpu.memory_space<hbm>>) dst(%arg18 : memref<128xi32, #tpu.memory_space<vmem>>)
      tpu.yield
    }) : () -> ()
    %dma_start3A = arith.constant 0 : i32
    %dma_start3A_6 = arith.constant 0 : i32
    %dma_start3A_7 = tpu.memref_slice %arg9[%dma_start3A, %dma_start3A_6] : memref<1000x128xf32, #tpu.memory_space<hbm>> -> memref<1000x128xf32, #tpu.memory_space<hbm>>
    tpu.enqueue_indirect_dma source(%dma_start3A_7 : memref<1000x128xf32, #tpu.memory_space<hbm>>) target(%arg19 : memref<128x128xf32, #tpu.memory_space<vmem>>) offsets(%arg18 : memref<128xi32, #tpu.memory_space<vmem>>) semaphore(%arg27 : memref<!tpu.dma_semaphore, #tpu.memory_space<semaphore_mem>>)
    %dma_wait3A = arith.constant 0 : i32
    %dma_wait3A_8 = arith.constant 0 : i32
    %dma_wait3A_9 = tpu.memref_slice %arg9[%dma_wait3A, %dma_wait3A_8] : memref<1000x128xf32, #tpu.memory_space<hbm>> -> memref<1000x128xf32, #tpu.memory_space<hbm>>
    tpu.wait_indirect_dma semaphore(%arg27 : memref<!tpu.dma_semaphore, #tpu.memory_space<semaphore_mem>>) src(%dma_wait3A_9 : memref<1000x128xf32, #tpu.memory_space<hbm>>) dst(%arg19 : memref<128x128xf32, #tpu.memory_space<vmem>>)
    "tpu.region"() ({
      %run_scoped3A = tpu.sem_alloc : memref<!tpu.dma_semaphore, #tpu.memory_space<semaphore_mem>>
      %dma_start3A_34 = arith.constant 0 : i32
      %dma_start3A_35 = tpu.memref_slice %arg15[%mul3A_2, %dma_start3A_34] : memref<4096x128xf32, #tpu.memory_space<hbm>> -> memref<128x128xf32, #tpu.memory_space<hbm>>
      %dma_start3A_36 = arith.constant 0 : i32
      %dma_start3A_37 = tpu.memref_slice %arg15[%mul3A_2, %dma_start3A_36] : memref<4096x128xf32, #tpu.memory_space<hbm>> -> memref<128x128xf32, #tpu.memory_space<hbm>>
      tpu.enqueue_dma source(%arg19 : memref<128x128xf32, #tpu.memory_space<vmem>>) target(%dma_start3A_37 : memref<128x128xf32, #tpu.memory_space<hbm>>) target_semaphore(%run_scoped3A : memref<!tpu.dma_semaphore, #tpu.memory_space<semaphore_mem>>)
      %dma_wait3A_38 = arith.constant 0 : i32
      %dma_wait3A_39 = tpu.memref_slice %arg15[%mul3A_2, %dma_wait3A_38] : memref<4096x128xf32, #tpu.memory_space<hbm>> -> memref<128x128xf32, #tpu.memory_space<hbm>>
      %dma_wait3A_40 = arith.constant 0 : i32
      %dma_wait3A_41 = tpu.memref_slice %arg15[%mul3A_2, %dma_wait3A_40] : memref<4096x128xf32, #tpu.memory_space<hbm>> -> memref<128x128xf32, #tpu.memory_space<hbm>>
      tpu.wait_dma2 semaphore(%run_scoped3A : memref<!tpu.dma_semaphore, #tpu.memory_space<semaphore_mem>>) src(%arg19 : memref<128x128xf32, #tpu.memory_space<vmem>>) dst(%dma_wait3A_41 : memref<128x128xf32, #tpu.memory_space<hbm>>)
      tpu.yield
    }) : () -> ()
    "tpu.region"() ({
      %run_scoped3A = tpu.sem_alloc : memref<!tpu.dma_semaphore, #tpu.memory_space<semaphore_mem>>
      %dma_start3A_34 = tpu.memref_slice %arg7[%mul3A_2] : memref<4096xi32, #tpu.memory_space<hbm>> -> memref<128xi32, #tpu.memory_space<hbm>>
      %dma_start3A_35 = tpu.memref_slice %arg7[%mul3A_2] : memref<4096xi32, #tpu.memory_space<hbm>> -> memref<128xi32, #tpu.memory_space<hbm>>
      tpu.enqueue_dma source(%dma_start3A_35 : memref<128xi32, #tpu.memory_space<hbm>>) target(%arg18 : memref<128xi32, #tpu.memory_space<vmem>>) target_semaphore(%run_scoped3A : memref<!tpu.dma_semaphore, #tpu.memory_space<semaphore_mem>>)
      %dma_wait3A_36 = tpu.memref_slice %arg7[%mul3A_2] : memref<4096xi32, #tpu.memory_space<hbm>> -> memref<128xi32, #tpu.memory_space<hbm>>
      %dma_wait3A_37 = tpu.memref_slice %arg7[%mul3A_2] : memref<4096xi32, #tpu.memory_space<hbm>> -> memref<128xi32, #tpu.memory_space<hbm>>
      tpu.wait_dma2 semaphore(%run_scoped3A : memref<!tpu.dma_semaphore, #tpu.memory_space<semaphore_mem>>) src(%dma_wait3A_37 : memref<128xi32, #tpu.memory_space<hbm>>) dst(%arg18 : memref<128xi32, #tpu.memory_space<vmem>>)
      tpu.yield
    }) : () -> ()
    %dma_start3A_10 = arith.constant 0 : i32
    %dma_start3A_11 = arith.constant 0 : i32
    %dma_start3A_12 = tpu.memref_slice %arg10[%dma_start3A_10, %dma_start3A_11] : memref<120x128xf32, #tpu.memory_space<hbm>> -> memref<120x128xf32, #tpu.memory_space<hbm>>
    tpu.enqueue_indirect_dma source(%dma_start3A_12 : memref<120x128xf32, #tpu.memory_space<hbm>>) target(%arg19 : memref<128x128xf32, #tpu.memory_space<vmem>>) offsets(%arg18 : memref<128xi32, #tpu.memory_space<vmem>>) semaphore(%arg27 : memref<!tpu.dma_semaphore, #tpu.memory_space<semaphore_mem>>)
    %dma_wait3A_13 = arith.constant 0 : i32
    %dma_wait3A_14 = arith.constant 0 : i32
    %dma_wait3A_15 = tpu.memref_slice %arg10[%dma_wait3A_13, %dma_wait3A_14] : memref<120x128xf32, #tpu.memory_space<hbm>> -> memref<120x128xf32, #tpu.memory_space<hbm>>
    tpu.wait_indirect_dma semaphore(%arg27 : memref<!tpu.dma_semaphore, #tpu.memory_space<semaphore_mem>>) src(%dma_wait3A_15 : memref<120x128xf32, #tpu.memory_space<hbm>>) dst(%arg19 : memref<128x128xf32, #tpu.memory_space<vmem>>)
    "tpu.region"() ({
      %run_scoped3A = tpu.sem_alloc : memref<!tpu.dma_semaphore, #tpu.memory_space<semaphore_mem>>
      %dma_start3A_34 = arith.constant 0 : i32
      %dma_start3A_35 = tpu.memref_slice %arg16[%mul3A_2, %dma_start3A_34] : memref<4096x128xf32, #tpu.memory_space<hbm>> -> memref<128x128xf32, #tpu.memory_space<hbm>>
      %dma_start3A_36 = arith.constant 0 : i32
      %dma_start3A_37 = tpu.memref_slice %arg16[%mul3A_2, %dma_start3A_36] : memref<4096x128xf32, #tpu.memory_space<hbm>> -> memref<128x128xf32, #tpu.memory_space<hbm>>
      tpu.enqueue_dma source(%arg19 : memref<128x128xf32, #tpu.memory_space<vmem>>) target(%dma_start3A_37 : memref<128x128xf32, #tpu.memory_space<hbm>>) target_semaphore(%run_scoped3A : memref<!tpu.dma_semaphore, #tpu.memory_space<semaphore_mem>>)
      %dma_wait3A_38 = arith.constant 0 : i32
      %dma_wait3A_39 = tpu.memref_slice %arg16[%mul3A_2, %dma_wait3A_38] : memref<4096x128xf32, #tpu.memory_space<hbm>> -> memref<128x128xf32, #tpu.memory_space<hbm>>
      %dma_wait3A_40 = arith.constant 0 : i32
      %dma_wait3A_41 = tpu.memref_slice %arg16[%mul3A_2, %dma_wait3A_40] : memref<4096x128xf32, #tpu.memory_space<hbm>> -> memref<128x128xf32, #tpu.memory_space<hbm>>
      tpu.wait_dma2 semaphore(%run_scoped3A : memref<!tpu.dma_semaphore, #tpu.memory_space<semaphore_mem>>) src(%arg19 : memref<128x128xf32, #tpu.memory_space<vmem>>) dst(%dma_wait3A_41 : memref<128x128xf32, #tpu.memory_space<hbm>>)
      tpu.yield
    }) : () -> ()
    "tpu.region"() ({
      %run_scoped3A = tpu.sem_alloc : memref<!tpu.dma_semaphore, #tpu.memory_space<semaphore_mem>>
      %dma_start3A_34 = tpu.memref_slice %arg8[%mul3A_2] : memref<4096xi32, #tpu.memory_space<hbm>> -> memref<128xi32, #tpu.memory_space<hbm>>
      %dma_start3A_35 = tpu.memref_slice %arg8[%mul3A_2] : memref<4096xi32, #tpu.memory_space<hbm>> -> memref<128xi32, #tpu.memory_space<hbm>>
      tpu.enqueue_dma source(%dma_start3A_35 : memref<128xi32, #tpu.memory_space<hbm>>) target(%arg18 : memref<128xi32, #tpu.memory_space<vmem>>) target_semaphore(%run_scoped3A : memref<!tpu.dma_semaphore, #tpu.memory_space<semaphore_mem>>)
      %dma_wait3A_36 = tpu.memref_slice %arg8[%mul3A_2] : memref<4096xi32, #tpu.memory_space<hbm>> -> memref<128xi32, #tpu.memory_space<hbm>>
      %dma_wait3A_37 = tpu.memref_slice %arg8[%mul3A_2] : memref<4096xi32, #tpu.memory_space<hbm>> -> memref<128xi32, #tpu.memory_space<hbm>>
      tpu.wait_dma2 semaphore(%run_scoped3A : memref<!tpu.dma_semaphore, #tpu.memory_space<semaphore_mem>>) src(%dma_wait3A_37 : memref<128xi32, #tpu.memory_space<hbm>>) dst(%arg18 : memref<128xi32, #tpu.memory_space<vmem>>)
      tpu.yield
    }) : () -> ()
    %dma_start3A_16 = arith.constant 0 : i32
    %dma_start3A_17 = arith.constant 0 : i32
    %dma_start3A_18 = tpu.memref_slice %arg11[%dma_start3A_16, %dma_start3A_17] : memref<5x128xf32, #tpu.memory_space<hbm>> -> memref<5x128xf32, #tpu.memory_space<hbm>>
    tpu.enqueue_indirect_dma source(%dma_start3A_18 : memref<5x128xf32, #tpu.memory_space<hbm>>) target(%arg19 : memref<128x128xf32, #tpu.memory_space<vmem>>) offsets(%arg18 : memref<128xi32, #tpu.memory_space<vmem>>) semaphore(%arg27 : memref<!tpu.dma_semaphore, #tpu.memory_space<semaphore_mem>>)
    %dma_wait3A_19 = arith.constant 0 : i32
    %dma_wait3A_20 = arith.constant 0 : i32
    %dma_wait3A_21 = tpu.memref_slice %arg11[%dma_wait3A_19, %dma_wait3A_20] : memref<5x128xf32, #tpu.memory_space<hbm>> -> memref<5x128xf32, #tpu.memory_space<hbm>>
    tpu.wait_indirect_dma semaphore(%arg27 : memref<!tpu.dma_semaphore, #tpu.memory_space<semaphore_mem>>) src(%dma_wait3A_21 : memref<5x128xf32, #tpu.memory_space<hbm>>) dst(%arg19 : memref<128x128xf32, #tpu.memory_space<vmem>>)
    "tpu.region"() ({
      %run_scoped3A = tpu.sem_alloc : memref<!tpu.dma_semaphore, #tpu.memory_space<semaphore_mem>>
      %dma_start3A_34 = arith.constant 0 : i32
      %dma_start3A_35 = tpu.memref_slice %arg17[%mul3A_2, %dma_start3A_34] : memref<4096x128xf32, #tpu.memory_space<hbm>> -> memref<128x128xf32, #tpu.memory_space<hbm>>
      %dma_start3A_36 = arith.constant 0 : i32
      %dma_start3A_37 = tpu.memref_slice %arg17[%mul3A_2, %dma_start3A_36] : memref<4096x128xf32, #tpu.memory_space<hbm>> -> memref<128x128xf32, #tpu.memory_space<hbm>>
      tpu.enqueue_dma source(%arg19 : memref<128x128xf32, #tpu.memory_space<vmem>>) target(%dma_start3A_37 : memref<128x128xf32, #tpu.memory_space<hbm>>) target_semaphore(%run_scoped3A : memref<!tpu.dma_semaphore, #tpu.memory_space<semaphore_mem>>)
      %dma_wait3A_38 = arith.constant 0 : i32
      %dma_wait3A_39 = tpu.memref_slice %arg17[%mul3A_2, %dma_wait3A_38] : memref<4096x128xf32, #tpu.memory_space<hbm>> -> memref<128x128xf32, #tpu.memory_space<hbm>>
      %dma_wait3A_40 = arith.constant 0 : i32
      %dma_wait3A_41 = tpu.memref_slice %arg17[%mul3A_2, %dma_wait3A_40] : memref<4096x128xf32, #tpu.memory_space<hbm>> -> memref<128x128xf32, #tpu.memory_space<hbm>>
      tpu.wait_dma2 semaphore(%run_scoped3A : memref<!tpu.dma_semaphore, #tpu.memory_space<semaphore_mem>>) src(%arg19 : memref<128x128xf32, #tpu.memory_space<vmem>>) dst(%dma_wait3A_41 : memref<128x128xf32, #tpu.memory_space<hbm>>)
      tpu.yield
    }) : () -> ()
    %scan3A = arith.constant 0 : i32
    %scan3A_22 = arith.constant 16 : i32
    %scan3A_23 = arith.addi %scan3A, %scan3A_22 : i32
    %scan3A_24 = arith.constant 1 : i32
    scf.for %scan3A_34 = %scan3A to %scan3A_23 step %scan3A_24  : i32 {
      %scan3A_35 = arith.constant 0 : i32
      %scan3A_36 = arith.constant 63 : i32
      %scan3A_37 = arith.addi %scan3A_35, %scan3A_36 : i32
      %scan3A_38 = arith.constant 1 : i32
      scf.for %scan3A_45 = %scan3A_35 to %scan3A_37 step %scan3A_38  : i32 {
        %mul3A_46 = arith.constant 16 : i32
        %mul3A_47 = arith.muli %scan3A_45, %mul3A_46 : i32
        %swap3A_48 = arith.index_cast %scan3A_34 : i32 to index
        %swap3A_49 = arith.index_cast %mul3A_47 : i32 to index
        %swap3A_50 = tpu.vector_load %arg24[%swap3A_48, %swap3A_49] {strides = array<i32>} : memref<16x1008xf32, #tpu.memory_space<vmem>>, vector<16xf32>,
        tpu.vector_store %arg24[%swap3A_48, %swap3A_49], %broadcast_in_dim3A_3 {strides = array<i32>} : memref<16x1008xf32, #tpu.memory_space<vmem>>, vector<16xf32>,
      }
      %scan3A_39 = arith.constant 63 : i32
      %swap3A = arith.index_cast %scan3A_34 : i32 to index
      %swap3A_40 = arith.constant 0 : index
      %swap3A_41 = tpu.vector_load %arg25[%swap3A, %swap3A_40] {strides = array<i32>} : memref<16x16xf32, #tpu.memory_space<vmem>>, vector<16xf32>,
      tpu.vector_store %arg25[%swap3A, %swap3A_40], %broadcast_in_dim3A_3 {strides = array<i32>} : memref<16x16xf32, #tpu.memory_space<vmem>>, vector<16xf32>,
      %swap3A_42 = arith.index_cast %scan3A_34 : i32 to index
      %swap3A_43 = arith.constant 0 : index
      %swap3A_44 = tpu.vector_load %arg26[%swap3A_42, %swap3A_43] {strides = array<i32>} : memref<16x16xf32, #tpu.memory_space<vmem>>, vector<16xf32>,
      tpu.vector_store %arg26[%swap3A_42, %swap3A_43], %broadcast_in_dim3A_3 {strides = array<i32>} : memref<16x16xf32, #tpu.memory_space<vmem>>, vector<16xf32>,
    }
    %scan3A_25 = arith.constant 16 : i32
    %mul3A_26 = arith.constant 200 : i32
    %mul3A_27 = vector.broadcast %mul3A_26 : i32 to vector<16xi32>
    %mul3A_28 = arith.muli %iota3A, %mul3A_27 : vector<16xi32>
    %scan3A_29 = arith.constant 0 : i32
    %scan3A_30 = arith.constant 8 : i32
    %scan3A_31 = arith.addi %scan3A_29, %scan3A_30 : i32
    %scan3A_32 = arith.constant 1 : i32
    scf.for %scan3A_34 = %scan3A_29 to %scan3A_31 step %scan3A_32  : i32 {
      %mul3A_35 = arith.constant 16 : i32
      %mul3A_36 = arith.muli %scan3A_34, %mul3A_35 : i32
      %add3A_37 = arith.addi %mul3A_2, %mul3A_36 : i32
      %mul3A_38 = arith.constant 200 : i32
      %mul3A_39 = arith.muli %add3A_37, %mul3A_38 : i32
      "tpu.region"() ({
        %run_scoped3A = tpu.sem_alloc : memref<!tpu.dma_semaphore, #tpu.memory_space<semaphore_mem>>
        %dma_start3A_56 = tpu.memref_slice %arg2[%mul3A_39] : memref<819200xi32, #tpu.memory_space<hbm>> -> memref<3200xi32, #tpu.memory_space<hbm>>
        %dma_start3A_57 = tpu.memref_slice %arg2[%mul3A_39] : memref<819200xi32, #tpu.memory_space<hbm>> -> memref<3200xi32, #tpu.memory_space<hbm>>
        tpu.enqueue_dma source(%dma_start3A_57 : memref<3200xi32, #tpu.memory_space<hbm>>) target(%arg20 : memref<3200xi32, #tpu.memory_space<vmem>>) target_semaphore(%run_scoped3A : memref<!tpu.dma_semaphore, #tpu.memory_space<semaphore_mem>>)
        %dma_wait3A_58 = tpu.memref_slice %arg2[%mul3A_39] : memref<819200xi32, #tpu.memory_space<hbm>> -> memref<3200xi32, #tpu.memory_space<hbm>>
        %dma_wait3A_59 = tpu.memref_slice %arg2[%mul3A_39] : memref<819200xi32, #tpu.memory_space<hbm>> -> memref<3200xi32, #tpu.memory_space<hbm>>
        tpu.wait_dma2 semaphore(%run_scoped3A : memref<!tpu.dma_semaphore, #tpu.memory_space<semaphore_mem>>) src(%dma_wait3A_59 : memref<3200xi32, #tpu.memory_space<hbm>>) dst(%arg20 : memref<3200xi32, #tpu.memory_space<vmem>>)
        tpu.yield
      }) : () -> ()
      %mul3A_40 = arith.constant 200 : i32
      %mul3A_41 = arith.muli %add3A_37, %mul3A_40 : i32
      "tpu.region"() ({
        %run_scoped3A = tpu.sem_alloc : memref<!tpu.dma_semaphore, #tpu.memory_space<semaphore_mem>>
        %dma_start3A_56 = tpu.memref_slice %arg3[%mul3A_41] : memref<819200xi32, #tpu.memory_space<hbm>> -> memref<3200xi32, #tpu.memory_space<hbm>>
        %dma_start3A_57 = tpu.memref_slice %arg3[%mul3A_41] : memref<819200xi32, #tpu.memory_space<hbm>> -> memref<3200xi32, #tpu.memory_space<hbm>>
        tpu.enqueue_dma source(%dma_start3A_57 : memref<3200xi32, #tpu.memory_space<hbm>>) target(%arg21 : memref<3200xi32, #tpu.memory_space<vmem>>) target_semaphore(%run_scoped3A : memref<!tpu.dma_semaphore, #tpu.memory_space<semaphore_mem>>)
        %dma_wait3A_58 = tpu.memref_slice %arg3[%mul3A_41] : memref<819200xi32, #tpu.memory_space<hbm>> -> memref<3200xi32, #tpu.memory_space<hbm>>
        %dma_wait3A_59 = tpu.memref_slice %arg3[%mul3A_41] : memref<819200xi32, #tpu.memory_space<hbm>> -> memref<3200xi32, #tpu.memory_space<hbm>>
        tpu.wait_dma2 semaphore(%run_scoped3A : memref<!tpu.dma_semaphore, #tpu.memory_space<semaphore_mem>>) src(%dma_wait3A_59 : memref<3200xi32, #tpu.memory_space<hbm>>) dst(%arg21 : memref<3200xi32, #tpu.memory_space<vmem>>)
        tpu.yield
      }) : () -> ()
      %mul3A_42 = arith.constant 200 : i32
      %mul3A_43 = arith.muli %add3A_37, %mul3A_42 : i32
      "tpu.region"() ({
        %run_scoped3A = tpu.sem_alloc : memref<!tpu.dma_semaphore, #tpu.memory_space<semaphore_mem>>
        %dma_start3A_56 = tpu.memref_slice %arg4[%mul3A_43] : memref<819200xi32, #tpu.memory_space<hbm>> -> memref<3200xi32, #tpu.memory_space<hbm>>
        %dma_start3A_57 = tpu.memref_slice %arg4[%mul3A_43] : memref<819200xi32, #tpu.memory_space<hbm>> -> memref<3200xi32, #tpu.memory_space<hbm>>
        tpu.enqueue_dma source(%dma_start3A_57 : memref<3200xi32, #tpu.memory_space<hbm>>) target(%arg22 : memref<3200xi32, #tpu.memory_space<vmem>>) target_semaphore(%run_scoped3A : memref<!tpu.dma_semaphore, #tpu.memory_space<semaphore_mem>>)
        %dma_wait3A_58 = tpu.memref_slice %arg4[%mul3A_43] : memref<819200xi32, #tpu.memory_space<hbm>> -> memref<3200xi32, #tpu.memory_space<hbm>>
        %dma_wait3A_59 = tpu.memref_slice %arg4[%mul3A_43] : memref<819200xi32, #tpu.memory_space<hbm>> -> memref<3200xi32, #tpu.memory_space<hbm>>
        tpu.wait_dma2 semaphore(%run_scoped3A : memref<!tpu.dma_semaphore, #tpu.memory_space<semaphore_mem>>) src(%dma_wait3A_59 : memref<3200xi32, #tpu.memory_space<hbm>>) dst(%arg22 : memref<3200xi32, #tpu.memory_space<vmem>>)
        tpu.yield
      }) : () -> ()
      %mul3A_44 = arith.constant 200 : i32
      %mul3A_45 = arith.muli %add3A_37, %mul3A_44 : i32
      "tpu.region"() ({
        %run_scoped3A = tpu.sem_alloc : memref<!tpu.dma_semaphore, #tpu.memory_space<semaphore_mem>>
        %dma_start3A_56 = tpu.memref_slice %arg5[%mul3A_45] : memref<819200xi32, #tpu.memory_space<hbm>> -> memref<3200xi32, #tpu.memory_space<hbm>>
        %dma_start3A_57 = tpu.memref_slice %arg5[%mul3A_45] : memref<819200xi32, #tpu.memory_space<hbm>> -> memref<3200xi32, #tpu.memory_space<hbm>>
        tpu.enqueue_dma source(%dma_start3A_57 : memref<3200xi32, #tpu.memory_space<hbm>>) target(%arg23 : memref<3200xi32, #tpu.memory_space<vmem>>) target_semaphore(%run_scoped3A : memref<!tpu.dma_semaphore, #tpu.memory_space<semaphore_mem>>)
        %dma_wait3A_58 = tpu.memref_slice %arg5[%mul3A_45] : memref<819200xi32, #tpu.memory_space<hbm>> -> memref<3200xi32, #tpu.memory_space<hbm>>
        %dma_wait3A_59 = tpu.memref_slice %arg5[%mul3A_45] : memref<819200xi32, #tpu.memory_space<hbm>> -> memref<3200xi32, #tpu.memory_space<hbm>>
        tpu.wait_dma2 semaphore(%run_scoped3A : memref<!tpu.dma_semaphore, #tpu.memory_space<semaphore_mem>>) src(%dma_wait3A_59 : memref<3200xi32, #tpu.memory_space<hbm>>) dst(%arg23 : memref<3200xi32, #tpu.memory_space<vmem>>)
        tpu.yield
      }) : () -> ()
      %scan3A_46 = arith.constant 0 : i32
      %scan3A_47 = arith.constant 200 : i32
      %scan3A_48 = arith.addi %scan3A_46, %scan3A_47 : i32
      %scan3A_49 = arith.constant 1 : i32
      scf.for %scan3A_56 = %scan3A_46 to %scan3A_48 step %scan3A_49  : i32 {
        %add3A_57 = vector.broadcast %scan3A_56 : i32 to vector<16xi32>
        %add3A_58 = arith.addi %mul3A_28, %add3A_57 : vector<16xi32>
        %gather3A = tpu.vector_load_idx %arg20[%add3A_58] : memref<3200xi32, #tpu.memory_space<vmem>>[vector<16xi32>], vector<16xi32>,
        %gt3A = arith.constant 0 : i32
        %gt3A_59 = vector.broadcast %gt3A : i32 to vector<16xi32>
        %gt3A_60 = arith.cmpi sgt, %gather3A, %gt3A_59 : vector<16xi32>
        %gather3A_61 = tpu.vector_load_idx %arg21[%add3A_58] : memref<3200xi32, #tpu.memory_space<vmem>>[vector<16xi32>], vector<16xi32>,
        %gather3A_62 = tpu.vector_load_idx %arg22[%add3A_58] : memref<3200xi32, #tpu.memory_space<vmem>>[vector<16xi32>], vector<16xi32>,
        %gather3A_63 = tpu.vector_load_idx %arg23[%add3A_58] : memref<3200xi32, #tpu.memory_space<vmem>>[vector<16xi32>], vector<16xi32>,
        tpu.vector_store_idx %arg24[%iota3A, %gather3A_61], %broadcast_in_dim3A_5 masked %gt3A_60 {add = true} : memref<16x1008xf32, #tpu.memory_space<vmem>>[vector<16xi32>, vector<16xi32>], vector<16xf32>, vector<16xi1>
        tpu.vector_store_idx %arg25[%iota3A, %gather3A_62], %broadcast_in_dim3A_5 masked %gt3A_60 {add = true} : memref<16x16xf32, #tpu.memory_space<vmem>>[vector<16xi32>, vector<16xi32>], vector<16xf32>, vector<16xi1>
        tpu.vector_store_idx %arg26[%iota3A, %gather3A_63], %broadcast_in_dim3A_5 masked %gt3A_60 {add = true} : memref<16x16xf32, #tpu.memory_space<vmem>>[vector<16xi32>, vector<16xi32>], vector<16xf32>, vector<16xi1>
      }
      %scan3A_50 = arith.constant 200 : i32
      "tpu.region"() ({
        %run_scoped3A = tpu.sem_alloc : memref<!tpu.dma_semaphore, #tpu.memory_space<semaphore_mem>>
        %dma_start3A_56 = arith.constant 0 : i32
        %dma_start3A_57 = tpu.memref_slice %arg12[%add3A_37, %dma_start3A_56] : memref<4096x1008xf32, #tpu.memory_space<hbm>> -> memref<16x1008xf32, #tpu.memory_space<hbm>>
        %dma_start3A_58 = arith.constant 0 : i32
        %dma_start3A_59 = tpu.memref_slice %arg12[%add3A_37, %dma_start3A_58] : memref<4096x1008xf32, #tpu.memory_space<hbm>> -> memref<16x1008xf32, #tpu.memory_space<hbm>>
        tpu.enqueue_dma source(%arg24 : memref<16x1008xf32, #tpu.memory_space<vmem>>) target(%dma_start3A_59 : memref<16x1008xf32, #tpu.memory_space<hbm>>) target_semaphore(%run_scoped3A : memref<!tpu.dma_semaphore, #tpu.memory_space<semaphore_mem>>)
        %dma_wait3A_60 = arith.constant 0 : i32
        %dma_wait3A_61 = tpu.memref_slice %arg12[%add3A_37, %dma_wait3A_60] : memref<4096x1008xf32, #tpu.memory_space<hbm>> -> memref<16x1008xf32, #tpu.memory_space<hbm>>
        %dma_wait3A_62 = arith.constant 0 : i32
        %dma_wait3A_63 = tpu.memref_slice %arg12[%add3A_37, %dma_wait3A_62] : memref<4096x1008xf32, #tpu.memory_space<hbm>> -> memref<16x1008xf32, #tpu.memory_space<hbm>>
        tpu.wait_dma2 semaphore(%run_scoped3A : memref<!tpu.dma_semaphore, #tpu.memory_space<semaphore_mem>>) src(%arg24 : memref<16x1008xf32, #tpu.memory_space<vmem>>) dst(%dma_wait3A_63 : memref<16x1008xf32, #tpu.memory_space<hbm>>)
        tpu.yield
      }) : () -> ()
      "tpu.region"() ({
        %run_scoped3A = tpu.sem_alloc : memref<!tpu.dma_semaphore, #tpu.memory_space<semaphore_mem>>
        %dma_start3A_56 = arith.constant 0 : i32
        %dma_start3A_57 = tpu.memref_slice %arg13[%add3A_37, %dma_start3A_56] : memref<4096x16xf32, #tpu.memory_space<hbm>> -> memref<16x16xf32, #tpu.memory_space<hbm>>
        %dma_start3A_58 = arith.constant 0 : i32
        %dma_start3A_59 = tpu.memref_slice %arg13[%add3A_37, %dma_start3A_58] : memref<4096x16xf32, #tpu.memory_space<hbm>> -> memref<16x16xf32, #tpu.memory_space<hbm>>
        tpu.enqueue_dma source(%arg25 : memref<16x16xf32, #tpu.memory_space<vmem>>) target(%dma_start3A_59 : memref<16x16xf32, #tpu.memory_space<hbm>>) target_semaphore(%run_scoped3A : memref<!tpu.dma_semaphore, #tpu.memory_space<semaphore_mem>>)
        %dma_wait3A_60 = arith.constant 0 : i32
        %dma_wait3A_61 = tpu.memref_slice %arg13[%add3A_37, %dma_wait3A_60] : memref<4096x16xf32, #tpu.memory_space<hbm>> -> memref<16x16xf32, #tpu.memory_space<hbm>>
        %dma_wait3A_62 = arith.constant 0 : i32
        %dma_wait3A_63 = tpu.memref_slice %arg13[%add3A_37, %dma_wait3A_62] : memref<4096x16xf32, #tpu.memory_space<hbm>> -> memref<16x16xf32, #tpu.memory_space<hbm>>
        tpu.wait_dma2 semaphore(%run_scoped3A : memref<!tpu.dma_semaphore, #tpu.memory_space<semaphore_mem>>) src(%arg25 : memref<16x16xf32, #tpu.memory_space<vmem>>) dst(%dma_wait3A_63 : memref<16x16xf32, #tpu.memory_space<hbm>>)
        tpu.yield
      }) : () -> ()
      "tpu.region"() ({
        %run_scoped3A = tpu.sem_alloc : memref<!tpu.dma_semaphore, #tpu.memory_space<semaphore_mem>>
        %dma_start3A_56 = arith.constant 0 : i32
        %dma_start3A_57 = tpu.memref_slice %arg14[%add3A_37, %dma_start3A_56] : memref<4096x16xf32, #tpu.memory_space<hbm>> -> memref<16x16xf32, #tpu.memory_space<hbm>>
        %dma_start3A_58 = arith.constant 0 : i32
        %dma_start3A_59 = tpu.memref_slice %arg14[%add3A_37, %dma_start3A_58] : memref<4096x16xf32, #tpu.memory_space<hbm>> -> memref<16x16xf32, #tpu.memory_space<hbm>>
        tpu.enqueue_dma source(%arg26 : memref<16x16xf32, #tpu.memory_space<vmem>>) target(%dma_start3A_59 : memref<16x16xf32, #tpu.memory_space<hbm>>) target_semaphore(%run_scoped3A : memref<!tpu.dma_semaphore, #tpu.memory_space<semaphore_mem>>)
        %dma_wait3A_60 = arith.constant 0 : i32
        %dma_wait3A_61 = tpu.memref_slice %arg14[%add3A_37, %dma_wait3A_60] : memref<4096x16xf32, #tpu.memory_space<hbm>> -> memref<16x16xf32, #tpu.memory_space<hbm>>
        %dma_wait3A_62 = arith.constant 0 : i32
        %dma_wait3A_63 = tpu.memref_slice %arg14[%add3A_37, %dma_wait3A_62] : memref<4096x16xf32, #tpu.memory_space<hbm>> -> memref<16x16xf32, #tpu.memory_space<hbm>>
        tpu.wait_dma2 semaphore(%run_scoped3A : memref<!tpu.dma_semaphore, #tpu.memory_space<semaphore_mem>>) src(%arg26 : memref<16x16xf32, #tpu.memory_space<vmem>>) dst(%dma_wait3A_63 : memref<16x16xf32, #tpu.memory_space<hbm>>)
        tpu.yield
      }) : () -> ()
      %scan3A_51 = arith.constant 0 : i32
      %scan3A_52 = arith.constant 16 : i32
      %scan3A_53 = arith.addi %scan3A_51, %scan3A_52 : i32
      %scan3A_54 = arith.constant 1 : i32
      scf.for %scan3A_56 = %scan3A_51 to %scan3A_53 step %scan3A_54  : i32 {
        %scan3A_57 = arith.constant 0 : i32
        %scan3A_58 = arith.constant 63 : i32
        %scan3A_59 = arith.addi %scan3A_57, %scan3A_58 : i32
        %scan3A_60 = arith.constant 1 : i32
        scf.for %scan3A_67 = %scan3A_57 to %scan3A_59 step %scan3A_60  : i32 {
          %mul3A_68 = arith.constant 16 : i32
          %mul3A_69 = arith.muli %scan3A_67, %mul3A_68 : i32
          %swap3A_70 = arith.index_cast %scan3A_56 : i32 to index
          %swap3A_71 = arith.index_cast %mul3A_69 : i32 to index
          %swap3A_72 = tpu.vector_load %arg24[%swap3A_70, %swap3A_71] {strides = array<i32>} : memref<16x1008xf32, #tpu.memory_space<vmem>>, vector<16xf32>,
          tpu.vector_store %arg24[%swap3A_70, %swap3A_71], %broadcast_in_dim3A_3 {strides = array<i32>} : memref<16x1008xf32, #tpu.memory_space<vmem>>, vector<16xf32>,
        }
        %scan3A_61 = arith.constant 63 : i32
        %swap3A = arith.index_cast %scan3A_56 : i32 to index
        %swap3A_62 = arith.constant 0 : index
        %swap3A_63 = tpu.vector_load %arg25[%swap3A, %swap3A_62] {strides = array<i32>} : memref<16x16xf32, #tpu.memory_space<vmem>>, vector<16xf32>,
        tpu.vector_store %arg25[%swap3A, %swap3A_62], %broadcast_in_dim3A_3 {strides = array<i32>} : memref<16x16xf32, #tpu.memory_space<vmem>>, vector<16xf32>,
        %swap3A_64 = arith.index_cast %scan3A_56 : i32 to index
        %swap3A_65 = arith.constant 0 : index
        %swap3A_66 = tpu.vector_load %arg26[%swap3A_64, %swap3A_65] {strides = array<i32>} : memref<16x16xf32, #tpu.memory_space<vmem>>, vector<16xf32>,
        tpu.vector_store %arg26[%swap3A_64, %swap3A_65], %broadcast_in_dim3A_3 {strides = array<i32>} : memref<16x16xf32, #tpu.memory_space<vmem>>, vector<16xf32>,
      }
      %scan3A_55 = arith.constant 16 : i32
    }
    %scan3A_33 = arith.constant 8 : i32
    return
  }
}

module attributes {stable_mosaic.version = 14 : i64} {
  func.func @_tc_cat_body(%arg0: i32, %arg1: memref<512x1008xf32, #tpu.memory_space<vmem>>, %arg2: memref<1008x64xf32, #tpu.memory_space<vmem>>, %arg3: memref<512x64xf32, #tpu.memory_space<vmem>>, %arg4: memref<512x1xf32, #tpu.memory_space<vmem>>) attributes {dimension_semantics = [#tpu.dimension_semantics<arbitrary>], iteration_bounds = array<i64: 8>, scalar_prefetch = 0 : i64, scratch_operands = 0 : i64, tpu.core_type = #tpu.core_type<tc>, window_params = [{transform_indices = @transform_0, window_bounds = array<i64: 512, 1008>}, {pipeline_mode = #tpu.pipeline_mode<synchronous>, transform_indices = @transform_1, window_bounds = array<i64: 1008, 64>}, {transform_indices = @transform_2, window_bounds = array<i64: 512, 64>}, {transform_indices = @transform_3, window_bounds = array<i64: 512, 1>}]} {
    %get3A = arith.constant 0 : index
    %get3A_0 = arith.constant 0 : index
    %get3A_1 = vector.load %arg1[%get3A, %get3A_0] : memref<512x1008xf32, #tpu.memory_space<vmem>>, vector<512x1008xf32>
    %get3A_2 = arith.constant 0 : index
    %get3A_3 = arith.constant 0 : index
    %get3A_4 = vector.load %arg2[%get3A_2, %get3A_3] : memref<1008x64xf32, #tpu.memory_space<vmem>>, vector<1008x64xf32>
    %dot_general3A = arith.constant dense<0.000000e+00> : vector<512x64xf32>
    %dot_general3A_5 = tpu.matmul %get3A_1, %get3A_4, %dot_general3A {dimension_numbers = #tpu.dot_dimension_numbers<[1], [0], [0], [1], [0, 0, 1, 1], [], []>, precision = #tpu.contract_precision<fp32>, transpose_lhs_hint = false} : vector<512x1008xf32>, vector<1008x64xf32>, vector<512x64xf32> -> vector<512x64xf32>
    %swap3A = arith.constant 0 : index
    %swap3A_6 = arith.constant 0 : index
    %swap3A_7 = vector.load %arg3[%swap3A, %swap3A_6] : memref<512x64xf32, #tpu.memory_space<vmem>>, vector<512x64xf32>
    tpu.vector_store %arg3[%swap3A, %swap3A_6], %dot_general3A_5 {strides = array<i32>} : memref<512x64xf32, #tpu.memory_space<vmem>>, vector<512x64xf32>,
    %reduce_sum3A = arith.constant dense<0.000000e+00> : vector<512xf32>
    %reduce_sum3A_8 = vector.multi_reduction <add>, %get3A_1, %reduce_sum3A [1] : vector<512x1008xf32> to vector<512xf32>
    %broadcast_in_dim3A = vector.shape_cast %reduce_sum3A_8 : vector<512xf32> to vector<512x1xf32>
    %swap3A_9 = arith.constant 0 : index
    %swap3A_10 = arith.constant 0 : index
    %swap3A_11 = vector.load %arg4[%swap3A_9, %swap3A_10] : memref<512x1xf32, #tpu.memory_space<vmem>>, vector<512x1xf32>
    tpu.vector_store %arg4[%swap3A_9, %swap3A_10], %broadcast_in_dim3A {strides = array<i32>} : memref<512x1xf32, #tpu.memory_space<vmem>>, vector<512x1xf32>,
    return
  }
  func.func @transform_0(%arg0: i32) -> (i32, i32) {
    %c0_i32 = arith.constant 0 : i32
    %c0_i32_0 = arith.constant 0 : i32
    return %arg0, %c0_i32 : i32, i32
  }
  func.func @transform_1(%arg0: i32) -> (i32, i32) {
    %c0_i32 = arith.constant 0 : i32
    %c0_i32_0 = arith.constant 0 : i32
    %c0_i32_1 = arith.constant 0 : i32
    return %c0_i32, %c0_i32_0 : i32, i32
  }
  func.func @transform_2(%arg0: i32) -> (i32, i32) {
    %c0_i32 = arith.constant 0 : i32
    %c0_i32_0 = arith.constant 0 : i32
    return %arg0, %c0_i32 : i32, i32
  }
  func.func @transform_3(%arg0: i32) -> (i32, i32) {
    %c0_i32 = arith.constant 0 : i32
    %c0_i32_0 = arith.constant 0 : i32
    return %arg0, %c0_i32 : i32, i32
  }
}

module attributes {stable_mosaic.version = 14 : i64} {
  func.func @_tc_body(%arg0: memref<4096x64xf32, #tpu.memory_space<vmem>>, %arg1: memref<4096x64xf32, #tpu.memory_space<vmem>>, %arg2: memref<4096x1xf32, #tpu.memory_space<vmem>>, %arg3: memref<4096x16xf32, #tpu.memory_space<vmem>>, %arg4: memref<4096x16xf32, #tpu.memory_space<vmem>>, %arg5: memref<4096x64xf32, #tpu.memory_space<vmem>>, %arg6: memref<4096x64xf32, #tpu.memory_space<vmem>>, %arg7: memref<4096x32xf32, #tpu.memory_space<vmem>>, %arg8: memref<4096x32xf32, #tpu.memory_space<vmem>>, %arg9: memref<4096x1xf32, #tpu.memory_space<vmem>>, %arg10: memref<4096x1xf32, #tpu.memory_space<vmem>>, %arg11: memref<1x64xf32, #tpu.memory_space<vmem>>, %arg12: memref<16x64xf32, #tpu.memory_space<vmem>>, %arg13: memref<16x64xf32, #tpu.memory_space<vmem>>, %arg14: memref<64x128xf32, #tpu.memory_space<vmem>>, %arg15: memref<64x128xf32, #tpu.memory_space<vmem>>, %arg16: memref<64x128xf32, #tpu.memory_space<vmem>>, %arg17: memref<64x128xf32, #tpu.memory_space<vmem>>, %arg18: memref<1x128xf32, #tpu.memory_space<vmem>>, %arg19: memref<32x128xf32, #tpu.memory_space<vmem>>, %arg20: memref<32x128xf32, #tpu.memory_space<vmem>>, %arg21: memref<1x128xf32, #tpu.memory_space<vmem>>, %arg22: memref<1x128xf32, #tpu.memory_space<vmem>>, %arg23: memref<1x128xf32, #tpu.memory_space<vmem>>, %arg24: memref<128x64xf32, #tpu.memory_space<vmem>>, %arg25: memref<1x64xf32, #tpu.memory_space<vmem>>, %arg26: memref<1x64xf32, #tpu.memory_space<vmem>>, %arg27: memref<1x64xf32, #tpu.memory_space<vmem>>, %arg28: memref<64x64xf32, #tpu.memory_space<vmem>>, %arg29: memref<1x64xf32, #tpu.memory_space<vmem>>, %arg30: memref<64x128xf32, #tpu.memory_space<vmem>>, %arg31: memref<64x128xf32, #tpu.memory_space<vmem>>, %arg32: memref<1x128xf32, #tpu.memory_space<vmem>>, %arg33: memref<1x128xf32, #tpu.memory_space<vmem>>, %arg34: memref<1x128xf32, #tpu.memory_space<vmem>>, %arg35: memref<1x128xf32, #tpu.memory_space<vmem>>, %arg36: memref<128x64xf32, #tpu.memory_space<vmem>>, %arg37: memref<1x64xf32, #tpu.memory_space<vmem>>, %arg38: memref<1x64xf32, #tpu.memory_space<vmem>>, %arg39: memref<1x64xf32, #tpu.memory_space<vmem>>, %arg40: memref<64x64xf32, #tpu.memory_space<vmem>>, %arg41: memref<1x64xf32, #tpu.memory_space<vmem>>, %arg42: memref<4096x64xf32, #tpu.memory_space<vmem>>, %arg43: memref<4096x64xf32, #tpu.memory_space<vmem>>) attributes {dimension_semantics = [], scalar_prefetch = 0 : i64, scratch_operands = 0 : i64, tpu.core_type = #tpu.core_type<tc>} {
    %get3A = arith.constant 0 : index
    %get3A_0 = arith.constant 0 : index
    %get3A_1 = vector.load %arg2[%get3A, %get3A_0] : memref<4096x1xf32, #tpu.memory_space<vmem>>, vector<4096x1xf32>
    %max3A = arith.constant 9.99999971E-10 : f32
    %max3A_2 = vector.broadcast %max3A : f32 to vector<4096x1xf32>
    %max3A_3 = arith.maximumf %get3A_1, %max3A_2 : vector<4096x1xf32>
    %sub3A = arith.constant 2.000000e+02 : f32
    %sub3A_4 = vector.broadcast %sub3A : f32 to vector<4096x1xf32>
    %sub3A_5 = arith.subf %sub3A_4, %get3A_1 : vector<4096x1xf32>
    %get3A_6 = arith.constant 0 : index
    %get3A_7 = arith.constant 0 : index
    %get3A_8 = vector.load %arg0[%get3A_6, %get3A_7] : memref<4096x64xf32, #tpu.memory_space<vmem>>, vector<4096x64xf32>
    %get3A_9 = arith.constant 0 : index
    %get3A_10 = arith.constant 0 : index
    %get3A_11 = vector.load %arg11[%get3A_9, %get3A_10] : memref<1x64xf32, #tpu.memory_space<vmem>>, vector<1x64xf32>
    %mul3A = vector.broadcast %sub3A_5 : vector<4096x1xf32> to vector<4096x64xf32>
    %mul3A_12 = vector.broadcast %get3A_11 : vector<1x64xf32> to vector<4096x64xf32>
    %mul3A_13 = arith.mulf %mul3A, %mul3A_12 : vector<4096x64xf32>
    %sub3A_14 = arith.subf %get3A_8, %mul3A_13 : vector<4096x64xf32>
    %div3A = vector.broadcast %max3A_3 : vector<4096x1xf32> to vector<4096x64xf32>
    %div3A_15 = arith.divf %sub3A_14, %div3A : vector<4096x64xf32>
    %get3A_16 = arith.constant 0 : index
    %get3A_17 = arith.constant 0 : index
    %get3A_18 = vector.load %arg1[%get3A_16, %get3A_17] : memref<4096x64xf32, #tpu.memory_space<vmem>>, vector<4096x64xf32>
    %div3A_19 = vector.broadcast %max3A_3 : vector<4096x1xf32> to vector<4096x64xf32>
    %div3A_20 = arith.divf %get3A_18, %div3A_19 : vector<4096x64xf32>
    %get3A_21 = arith.constant 0 : index
    %get3A_22 = arith.constant 0 : index
    %get3A_23 = vector.load %arg3[%get3A_21, %get3A_22] : memref<4096x16xf32, #tpu.memory_space<vmem>>, vector<4096x16xf32>
    %get3A_24 = arith.constant 0 : index
    %get3A_25 = arith.constant 0 : index
    %get3A_26 = vector.load %arg12[%get3A_24, %get3A_25] : memref<16x64xf32, #tpu.memory_space<vmem>>, vector<16x64xf32>
    %dot_general3A = arith.constant dense<0.000000e+00> : vector<4096x64xf32>
    %dot_general3A_27 = tpu.matmul %get3A_23, %get3A_26, %dot_general3A {dimension_numbers = #tpu.dot_dimension_numbers<[1], [0], [0], [1], [0, 0, 1, 1], [], []>, precision = #tpu.contract_precision<fp32>, transpose_lhs_hint = false} : vector<4096x16xf32>, vector<16x64xf32>, vector<4096x64xf32> -> vector<4096x64xf32>
    %div3A_28 = vector.broadcast %max3A_3 : vector<4096x1xf32> to vector<4096x64xf32>
    %div3A_29 = arith.divf %dot_general3A_27, %div3A_28 : vector<4096x64xf32>
    %get3A_30 = arith.constant 0 : index
    %get3A_31 = arith.constant 0 : index
    %get3A_32 = vector.load %arg4[%get3A_30, %get3A_31] : memref<4096x16xf32, #tpu.memory_space<vmem>>, vector<4096x16xf32>
    %get3A_33 = arith.constant 0 : index
    %get3A_34 = arith.constant 0 : index
    %get3A_35 = vector.load %arg13[%get3A_33, %get3A_34] : memref<16x64xf32, #tpu.memory_space<vmem>>, vector<16x64xf32>
    %dot_general3A_36 = arith.constant dense<0.000000e+00> : vector<4096x64xf32>
    %dot_general3A_37 = tpu.matmul %get3A_32, %get3A_35, %dot_general3A_36 {dimension_numbers = #tpu.dot_dimension_numbers<[1], [0], [0], [1], [0, 0, 1, 1], [], []>, precision = #tpu.contract_precision<fp32>, transpose_lhs_hint = false} : vector<4096x16xf32>, vector<16x64xf32>, vector<4096x64xf32> -> vector<4096x64xf32>
    %div3A_38 = vector.broadcast %max3A_3 : vector<4096x1xf32> to vector<4096x64xf32>
    %div3A_39 = arith.divf %dot_general3A_37, %div3A_38 : vector<4096x64xf32>
    %get3A_40 = arith.constant 0 : index
    %get3A_41 = arith.constant 0 : index
    %get3A_42 = vector.load %arg14[%get3A_40, %get3A_41] : memref<64x128xf32, #tpu.memory_space<vmem>>, vector<64x128xf32>
    %dot_general3A_43 = arith.constant dense<0.000000e+00> : vector<4096x128xf32>
    %dot_general3A_44 = tpu.matmul %div3A_15, %get3A_42, %dot_general3A_43 {dimension_numbers = #tpu.dot_dimension_numbers<[1], [0], [0], [1], [0, 0, 1, 1], [], []>, precision = #tpu.contract_precision<fp32>, transpose_lhs_hint = false} : vector<4096x64xf32>, vector<64x128xf32>, vector<4096x128xf32> -> vector<4096x128xf32>
    %get3A_45 = arith.constant 0 : index
    %get3A_46 = arith.constant 0 : index
    %get3A_47 = vector.load %arg15[%get3A_45, %get3A_46] : memref<64x128xf32, #tpu.memory_space<vmem>>, vector<64x128xf32>
    %dot_general3A_48 = arith.constant dense<0.000000e+00> : vector<4096x128xf32>
    %dot_general3A_49 = tpu.matmul %div3A_20, %get3A_47, %dot_general3A_48 {dimension_numbers = #tpu.dot_dimension_numbers<[1], [0], [0], [1], [0, 0, 1, 1], [], []>, precision = #tpu.contract_precision<fp32>, transpose_lhs_hint = false} : vector<4096x64xf32>, vector<64x128xf32>, vector<4096x128xf32> -> vector<4096x128xf32>
    %add3A = arith.addf %dot_general3A_44, %dot_general3A_49 : vector<4096x128xf32>
    %get3A_50 = arith.constant 0 : index
    %get3A_51 = arith.constant 0 : index
    %get3A_52 = vector.load %arg16[%get3A_50, %get3A_51] : memref<64x128xf32, #tpu.memory_space<vmem>>, vector<64x128xf32>
    %dot_general3A_53 = arith.constant dense<0.000000e+00> : vector<4096x128xf32>
    %dot_general3A_54 = tpu.matmul %div3A_29, %get3A_52, %dot_general3A_53 {dimension_numbers = #tpu.dot_dimension_numbers<[1], [0], [0], [1], [0, 0, 1, 1], [], []>, precision = #tpu.contract_precision<fp32>, transpose_lhs_hint = false} : vector<4096x64xf32>, vector<64x128xf32>, vector<4096x128xf32> -> vector<4096x128xf32>
    %add3A_55 = arith.addf %add3A, %dot_general3A_54 : vector<4096x128xf32>
    %get3A_56 = arith.constant 0 : index
    %get3A_57 = arith.constant 0 : index
    %get3A_58 = vector.load %arg17[%get3A_56, %get3A_57] : memref<64x128xf32, #tpu.memory_space<vmem>>, vector<64x128xf32>
    %dot_general3A_59 = arith.constant dense<0.000000e+00> : vector<4096x128xf32>
    %dot_general3A_60 = tpu.matmul %div3A_39, %get3A_58, %dot_general3A_59 {dimension_numbers = #tpu.dot_dimension_numbers<[1], [0], [0], [1], [0, 0, 1, 1], [], []>, precision = #tpu.contract_precision<fp32>, transpose_lhs_hint = false} : vector<4096x64xf32>, vector<64x128xf32>, vector<4096x128xf32> -> vector<4096x128xf32>
    %add3A_61 = arith.addf %add3A_55, %dot_general3A_60 : vector<4096x128xf32>
    %get3A_62 = arith.constant 0 : index
    %get3A_63 = arith.constant 0 : index
    %get3A_64 = vector.load %arg9[%get3A_62, %get3A_63] : memref<4096x1xf32, #tpu.memory_space<vmem>>, vector<4096x1xf32>
    %get3A_65 = arith.constant 0 : index
    %get3A_66 = arith.constant 0 : index
    %get3A_67 = vector.load %arg18[%get3A_65, %get3A_66] : memref<1x128xf32, #tpu.memory_space<vmem>>, vector<1x128xf32>
    %mul3A_68 = vector.broadcast %get3A_64 : vector<4096x1xf32> to vector<4096x128xf32>
    %mul3A_69 = vector.broadcast %get3A_67 : vector<1x128xf32> to vector<4096x128xf32>
    %mul3A_70 = arith.mulf %mul3A_68, %mul3A_69 : vector<4096x128xf32>
    %add3A_71 = arith.addf %add3A_61, %mul3A_70 : vector<4096x128xf32>
    %get3A_72 = arith.constant 0 : index
    %get3A_73 = arith.constant 0 : index
    %get3A_74 = vector.load %arg7[%get3A_72, %get3A_73] : memref<4096x32xf32, #tpu.memory_space<vmem>>, vector<4096x32xf32>
    %get3A_75 = arith.constant 0 : index
    %get3A_76 = arith.constant 0 : index
    %get3A_77 = vector.load %arg19[%get3A_75, %get3A_76] : memref<32x128xf32, #tpu.memory_space<vmem>>, vector<32x128xf32>
    %dot_general3A_78 = arith.constant dense<0.000000e+00> : vector<4096x128xf32>
    %dot_general3A_79 = tpu.matmul %get3A_74, %get3A_77, %dot_general3A_78 {dimension_numbers = #tpu.dot_dimension_numbers<[1], [0], [0], [1], [0, 0, 1, 1], [], []>, precision = #tpu.contract_precision<fp32>, transpose_lhs_hint = false} : vector<4096x32xf32>, vector<32x128xf32>, vector<4096x128xf32> -> vector<4096x128xf32>
    %add3A_80 = arith.addf %add3A_71, %dot_general3A_79 : vector<4096x128xf32>
    %get3A_81 = arith.constant 0 : index
    %get3A_82 = arith.constant 0 : index
    %get3A_83 = vector.load %arg8[%get3A_81, %get3A_82] : memref<4096x32xf32, #tpu.memory_space<vmem>>, vector<4096x32xf32>
    %get3A_84 = arith.constant 0 : index
    %get3A_85 = arith.constant 0 : index
    %get3A_86 = vector.load %arg20[%get3A_84, %get3A_85] : memref<32x128xf32, #tpu.memory_space<vmem>>, vector<32x128xf32>
    %dot_general3A_87 = arith.constant dense<0.000000e+00> : vector<4096x128xf32>
    %dot_general3A_88 = tpu.matmul %get3A_83, %get3A_86, %dot_general3A_87 {dimension_numbers = #tpu.dot_dimension_numbers<[1], [0], [0], [1], [0, 0, 1, 1], [], []>, precision = #tpu.contract_precision<fp32>, transpose_lhs_hint = false} : vector<4096x32xf32>, vector<32x128xf32>, vector<4096x128xf32> -> vector<4096x128xf32>
    %add3A_89 = arith.addf %add3A_80, %dot_general3A_88 : vector<4096x128xf32>
    %get3A_90 = arith.constant 0 : index
    %get3A_91 = arith.constant 0 : index
    %get3A_92 = vector.load %arg21[%get3A_90, %get3A_91] : memref<1x128xf32, #tpu.memory_space<vmem>>, vector<1x128xf32>
    %add3A_93 = vector.broadcast %get3A_92 : vector<1x128xf32> to vector<4096x128xf32>
    %add3A_94 = arith.addf %add3A_89, %add3A_93 : vector<4096x128xf32>
    %get3A_95 = arith.constant 0 : index
    %get3A_96 = arith.constant 0 : index
    %get3A_97 = vector.load %arg22[%get3A_95, %get3A_96] : memref<1x128xf32, #tpu.memory_space<vmem>>, vector<1x128xf32>
    %get3A_98 = arith.constant 0 : index
    %get3A_99 = arith.constant 0 : index
    %get3A_100 = vector.load %arg23[%get3A_98, %get3A_99] : memref<1x128xf32, #tpu.memory_space<vmem>>, vector<1x128xf32>
    %reduce_sum3A = arith.constant dense<0.000000e+00> : vector<128xf32>
    %reduce_sum3A_101 = vector.multi_reduction <add>, %add3A_94, %reduce_sum3A [0] : vector<4096x128xf32> to vector<128xf32>
    %broadcast_in_dim3A = vector.shape_cast %reduce_sum3A_101 : vector<128xf32> to vector<1x128xf32>
    %div3A_102 = arith.constant 4.096000e+03 : f32
    %div3A_103 = vector.broadcast %div3A_102 : f32 to vector<1x128xf32>
    %div3A_104 = arith.divf %broadcast_in_dim3A, %div3A_103 : vector<1x128xf32>
    %sub3A_105 = vector.broadcast %div3A_104 : vector<1x128xf32> to vector<4096x128xf32>
    %sub3A_106 = arith.subf %add3A_94, %sub3A_105 : vector<4096x128xf32>
    %sub3A_107 = vector.broadcast %div3A_104 : vector<1x128xf32> to vector<4096x128xf32>
    %sub3A_108 = arith.subf %add3A_94, %sub3A_107 : vector<4096x128xf32>
    %mul3A_109 = arith.mulf %sub3A_106, %sub3A_108 : vector<4096x128xf32>
    %reduce_sum3A_110 = arith.constant dense<0.000000e+00> : vector<128xf32>
    %reduce_sum3A_111 = vector.multi_reduction <add>, %mul3A_109, %reduce_sum3A_110 [0] : vector<4096x128xf32> to vector<128xf32>
    %broadcast_in_dim3A_112 = vector.shape_cast %reduce_sum3A_111 : vector<128xf32> to vector<1x128xf32>
    %div3A_113 = arith.constant 4.096000e+03 : f32
    %div3A_114 = vector.broadcast %div3A_113 : f32 to vector<1x128xf32>
    %div3A_115 = arith.divf %broadcast_in_dim3A_112, %div3A_114 : vector<1x128xf32>
    %sub3A_116 = vector.broadcast %div3A_104 : vector<1x128xf32> to vector<4096x128xf32>
    %sub3A_117 = arith.subf %add3A_94, %sub3A_116 : vector<4096x128xf32>
    %mul3A_118 = vector.broadcast %get3A_97 : vector<1x128xf32> to vector<4096x128xf32>
    %mul3A_119 = arith.mulf %mul3A_118, %sub3A_117 : vector<4096x128xf32>
    %add3A_120 = arith.constant 9.99999974E-6 : f32
    %add3A_121 = vector.broadcast %add3A_120 : f32 to vector<1x128xf32>
    %add3A_122 = arith.addf %div3A_115, %add3A_121 : vector<1x128xf32>
    %sqrt3A = math.sqrt %add3A_122 : vector<1x128xf32>
    %div3A_123 = vector.broadcast %sqrt3A : vector<1x128xf32> to vector<4096x128xf32>
    %div3A_124 = arith.divf %mul3A_119, %div3A_123 : vector<4096x128xf32>
    %add3A_125 = vector.broadcast %get3A_100 : vector<1x128xf32> to vector<4096x128xf32>
    %add3A_126 = arith.addf %div3A_124, %add3A_125 : vector<4096x128xf32>
    %max3A_127 = arith.constant 0.000000e+00 : f32
    %max3A_128 = vector.broadcast %max3A_127 : f32 to vector<4096x128xf32>
    %max3A_129 = arith.maximumf %add3A_126, %max3A_128 : vector<4096x128xf32>
    %get3A_130 = arith.constant 0 : index
    %get3A_131 = arith.constant 0 : index
    %get3A_132 = vector.load %arg24[%get3A_130, %get3A_131] : memref<128x64xf32, #tpu.memory_space<vmem>>, vector<128x64xf32>
    %dot_general3A_133 = arith.constant dense<0.000000e+00> : vector<4096x64xf32>
    %dot_general3A_134 = tpu.matmul %max3A_129, %get3A_132, %dot_general3A_133 {dimension_numbers = #tpu.dot_dimension_numbers<[1], [0], [0], [1], [0, 0, 1, 1], [], []>, precision = #tpu.contract_precision<fp32>, transpose_lhs_hint = false} : vector<4096x128xf32>, vector<128x64xf32>, vector<4096x64xf32> -> vector<4096x64xf32>
    %get3A_135 = arith.constant 0 : index
    %get3A_136 = arith.constant 0 : index
    %get3A_137 = vector.load %arg25[%get3A_135, %get3A_136] : memref<1x64xf32, #tpu.memory_space<vmem>>, vector<1x64xf32>
    %add3A_138 = vector.broadcast %get3A_137 : vector<1x64xf32> to vector<4096x64xf32>
    %add3A_139 = arith.addf %dot_general3A_134, %add3A_138 : vector<4096x64xf32>
    %get3A_140 = arith.constant 0 : index
    %get3A_141 = arith.constant 0 : index
    %get3A_142 = vector.load %arg26[%get3A_140, %get3A_141] : memref<1x64xf32, #tpu.memory_space<vmem>>, vector<1x64xf32>
    %get3A_143 = arith.constant 0 : index
    %get3A_144 = arith.constant 0 : index
    %get3A_145 = vector.load %arg27[%get3A_143, %get3A_144] : memref<1x64xf32, #tpu.memory_space<vmem>>, vector<1x64xf32>
    %reduce_sum3A_146 = arith.constant dense<0.000000e+00> : vector<64xf32>
    %reduce_sum3A_147 = vector.multi_reduction <add>, %add3A_139, %reduce_sum3A_146 [0] : vector<4096x64xf32> to vector<64xf32>
    %broadcast_in_dim3A_148 = vector.shape_cast %reduce_sum3A_147 : vector<64xf32> to vector<1x64xf32>
    %div3A_149 = arith.constant 4.096000e+03 : f32
    %div3A_150 = vector.broadcast %div3A_149 : f32 to vector<1x64xf32>
    %div3A_151 = arith.divf %broadcast_in_dim3A_148, %div3A_150 : vector<1x64xf32>
    %sub3A_152 = vector.broadcast %div3A_151 : vector<1x64xf32> to vector<4096x64xf32>
    %sub3A_153 = arith.subf %add3A_139, %sub3A_152 : vector<4096x64xf32>
    %sub3A_154 = vector.broadcast %div3A_151 : vector<1x64xf32> to vector<4096x64xf32>
    %sub3A_155 = arith.subf %add3A_139, %sub3A_154 : vector<4096x64xf32>
    %mul3A_156 = arith.mulf %sub3A_153, %sub3A_155 : vector<4096x64xf32>
    %reduce_sum3A_157 = arith.constant dense<0.000000e+00> : vector<64xf32>
    %reduce_sum3A_158 = vector.multi_reduction <add>, %mul3A_156, %reduce_sum3A_157 [0] : vector<4096x64xf32> to vector<64xf32>
    %broadcast_in_dim3A_159 = vector.shape_cast %reduce_sum3A_158 : vector<64xf32> to vector<1x64xf32>
    %div3A_160 = arith.constant 4.096000e+03 : f32
    %div3A_161 = vector.broadcast %div3A_160 : f32 to vector<1x64xf32>
    %div3A_162 = arith.divf %broadcast_in_dim3A_159, %div3A_161 : vector<1x64xf32>
    %sub3A_163 = vector.broadcast %div3A_151 : vector<1x64xf32> to vector<4096x64xf32>
    %sub3A_164 = arith.subf %add3A_139, %sub3A_163 : vector<4096x64xf32>
    %mul3A_165 = vector.broadcast %get3A_142 : vector<1x64xf32> to vector<4096x64xf32>
    %mul3A_166 = arith.mulf %mul3A_165, %sub3A_164 : vector<4096x64xf32>
    %add3A_167 = arith.constant 9.99999974E-6 : f32
    %add3A_168 = vector.broadcast %add3A_167 : f32 to vector<1x64xf32>
    %add3A_169 = arith.addf %div3A_162, %add3A_168 : vector<1x64xf32>
    %sqrt3A_170 = math.sqrt %add3A_169 : vector<1x64xf32>
    %div3A_171 = vector.broadcast %sqrt3A_170 : vector<1x64xf32> to vector<4096x64xf32>
    %div3A_172 = arith.divf %mul3A_166, %div3A_171 : vector<4096x64xf32>
    %add3A_173 = vector.broadcast %get3A_145 : vector<1x64xf32> to vector<4096x64xf32>
    %add3A_174 = arith.addf %div3A_172, %add3A_173 : vector<4096x64xf32>
    %max3A_175 = arith.constant 0.000000e+00 : f32
    %max3A_176 = vector.broadcast %max3A_175 : f32 to vector<4096x64xf32>
    %max3A_177 = arith.maximumf %add3A_174, %max3A_176 : vector<4096x64xf32>
    %get3A_178 = arith.constant 0 : index
    %get3A_179 = arith.constant 0 : index
    %get3A_180 = vector.load %arg28[%get3A_178, %get3A_179] : memref<64x64xf32, #tpu.memory_space<vmem>>, vector<64x64xf32>
    %dot_general3A_181 = arith.constant dense<0.000000e+00> : vector<4096x64xf32>
    %dot_general3A_182 = tpu.matmul %max3A_177, %get3A_180, %dot_general3A_181 {dimension_numbers = #tpu.dot_dimension_numbers<[1], [0], [0], [1], [0, 0, 1, 1], [], []>, precision = #tpu.contract_precision<fp32>, transpose_lhs_hint = false} : vector<4096x64xf32>, vector<64x64xf32>, vector<4096x64xf32> -> vector<4096x64xf32>
    %get3A_183 = arith.constant 0 : index
    %get3A_184 = arith.constant 0 : index
    %get3A_185 = vector.load %arg29[%get3A_183, %get3A_184] : memref<1x64xf32, #tpu.memory_space<vmem>>, vector<1x64xf32>
    %add3A_186 = vector.broadcast %get3A_185 : vector<1x64xf32> to vector<4096x64xf32>
    %add3A_187 = arith.addf %dot_general3A_182, %add3A_186 : vector<4096x64xf32>
    %get3A_188 = arith.constant 0 : index
    %get3A_189 = arith.constant 0 : index
    %get3A_190 = vector.load %arg5[%get3A_188, %get3A_189] : memref<4096x64xf32, #tpu.memory_space<vmem>>, vector<4096x64xf32>
    %get3A_191 = arith.constant 0 : index
    %get3A_192 = arith.constant 0 : index
    %get3A_193 = vector.load %arg30[%get3A_191, %get3A_192] : memref<64x128xf32, #tpu.memory_space<vmem>>, vector<64x128xf32>
    %dot_general3A_194 = arith.constant dense<0.000000e+00> : vector<4096x128xf32>
    %dot_general3A_195 = tpu.matmul %get3A_190, %get3A_193, %dot_general3A_194 {dimension_numbers = #tpu.dot_dimension_numbers<[1], [0], [0], [1], [0, 0, 1, 1], [], []>, precision = #tpu.contract_precision<fp32>, transpose_lhs_hint = false} : vector<4096x64xf32>, vector<64x128xf32>, vector<4096x128xf32> -> vector<4096x128xf32>
    %get3A_196 = arith.constant 0 : index
    %get3A_197 = arith.constant 0 : index
    %get3A_198 = vector.load %arg6[%get3A_196, %get3A_197] : memref<4096x64xf32, #tpu.memory_space<vmem>>, vector<4096x64xf32>
    %get3A_199 = arith.constant 0 : index
    %get3A_200 = arith.constant 0 : index
    %get3A_201 = vector.load %arg31[%get3A_199, %get3A_200] : memref<64x128xf32, #tpu.memory_space<vmem>>, vector<64x128xf32>
    %dot_general3A_202 = arith.constant dense<0.000000e+00> : vector<4096x128xf32>
    %dot_general3A_203 = tpu.matmul %get3A_198, %get3A_201, %dot_general3A_202 {dimension_numbers = #tpu.dot_dimension_numbers<[1], [0], [0], [1], [0, 0, 1, 1], [], []>, precision = #tpu.contract_precision<fp32>, transpose_lhs_hint = false} : vector<4096x64xf32>, vector<64x128xf32>, vector<4096x128xf32> -> vector<4096x128xf32>
    %add3A_204 = arith.addf %dot_general3A_195, %dot_general3A_203 : vector<4096x128xf32>
    %get3A_205 = arith.constant 0 : index
    %get3A_206 = arith.constant 0 : index
    %get3A_207 = vector.load %arg10[%get3A_205, %get3A_206] : memref<4096x1xf32, #tpu.memory_space<vmem>>, vector<4096x1xf32>
    %get3A_208 = arith.constant 0 : index
    %get3A_209 = arith.constant 0 : index
    %get3A_210 = vector.load %arg32[%get3A_208, %get3A_209] : memref<1x128xf32, #tpu.memory_space<vmem>>, vector<1x128xf32>
    %mul3A_211 = vector.broadcast %get3A_207 : vector<4096x1xf32> to vector<4096x128xf32>
    %mul3A_212 = vector.broadcast %get3A_210 : vector<1x128xf32> to vector<4096x128xf32>
    %mul3A_213 = arith.mulf %mul3A_211, %mul3A_212 : vector<4096x128xf32>
    %add3A_214 = arith.addf %add3A_204, %mul3A_213 : vector<4096x128xf32>
    %get3A_215 = arith.constant 0 : index
    %get3A_216 = arith.constant 0 : index
    %get3A_217 = vector.load %arg33[%get3A_215, %get3A_216] : memref<1x128xf32, #tpu.memory_space<vmem>>, vector<1x128xf32>
    %add3A_218 = vector.broadcast %get3A_217 : vector<1x128xf32> to vector<4096x128xf32>
    %add3A_219 = arith.addf %add3A_214, %add3A_218 : vector<4096x128xf32>
    %get3A_220 = arith.constant 0 : index
    %get3A_221 = arith.constant 0 : index
    %get3A_222 = vector.load %arg34[%get3A_220, %get3A_221] : memref<1x128xf32, #tpu.memory_space<vmem>>, vector<1x128xf32>
    %get3A_223 = arith.constant 0 : index
    %get3A_224 = arith.constant 0 : index
    %get3A_225 = vector.load %arg35[%get3A_223, %get3A_224] : memref<1x128xf32, #tpu.memory_space<vmem>>, vector<1x128xf32>
    %reduce_sum3A_226 = arith.constant dense<0.000000e+00> : vector<128xf32>
    %reduce_sum3A_227 = vector.multi_reduction <add>, %add3A_219, %reduce_sum3A_226 [0] : vector<4096x128xf32> to vector<128xf32>
    %broadcast_in_dim3A_228 = vector.shape_cast %reduce_sum3A_227 : vector<128xf32> to vector<1x128xf32>
    %div3A_229 = arith.constant 4.096000e+03 : f32
    %div3A_230 = vector.broadcast %div3A_229 : f32 to vector<1x128xf32>
    %div3A_231 = arith.divf %broadcast_in_dim3A_228, %div3A_230 : vector<1x128xf32>
    %sub3A_232 = vector.broadcast %div3A_231 : vector<1x128xf32> to vector<4096x128xf32>
    %sub3A_233 = arith.subf %add3A_219, %sub3A_232 : vector<4096x128xf32>
    %sub3A_234 = vector.broadcast %div3A_231 : vector<1x128xf32> to vector<4096x128xf32>
    %sub3A_235 = arith.subf %add3A_219, %sub3A_234 : vector<4096x128xf32>
    %mul3A_236 = arith.mulf %sub3A_233, %sub3A_235 : vector<4096x128xf32>
    %reduce_sum3A_237 = arith.constant dense<0.000000e+00> : vector<128xf32>
    %reduce_sum3A_238 = vector.multi_reduction <add>, %mul3A_236, %reduce_sum3A_237 [0] : vector<4096x128xf32> to vector<128xf32>
    %broadcast_in_dim3A_239 = vector.shape_cast %reduce_sum3A_238 : vector<128xf32> to vector<1x128xf32>
    %div3A_240 = arith.constant 4.096000e+03 : f32
    %div3A_241 = vector.broadcast %div3A_240 : f32 to vector<1x128xf32>
    %div3A_242 = arith.divf %broadcast_in_dim3A_239, %div3A_241 : vector<1x128xf32>
    %sub3A_243 = vector.broadcast %div3A_231 : vector<1x128xf32> to vector<4096x128xf32>
    %sub3A_244 = arith.subf %add3A_219, %sub3A_243 : vector<4096x128xf32>
    %mul3A_245 = vector.broadcast %get3A_222 : vector<1x128xf32> to vector<4096x128xf32>
    %mul3A_246 = arith.mulf %mul3A_245, %sub3A_244 : vector<4096x128xf32>
    %add3A_247 = arith.constant 9.99999974E-6 : f32
    %add3A_248 = vector.broadcast %add3A_247 : f32 to vector<1x128xf32>
    %add3A_249 = arith.addf %div3A_242, %add3A_248 : vector<1x128xf32>
    %sqrt3A_250 = math.sqrt %add3A_249 : vector<1x128xf32>
    %div3A_251 = vector.broadcast %sqrt3A_250 : vector<1x128xf32> to vector<4096x128xf32>
    %div3A_252 = arith.divf %mul3A_246, %div3A_251 : vector<4096x128xf32>
    %add3A_253 = vector.broadcast %get3A_225 : vector<1x128xf32> to vector<4096x128xf32>
    %add3A_254 = arith.addf %div3A_252, %add3A_253 : vector<4096x128xf32>
    %max3A_255 = arith.constant 0.000000e+00 : f32
    %max3A_256 = vector.broadcast %max3A_255 : f32 to vector<4096x128xf32>
    %max3A_257 = arith.maximumf %add3A_254, %max3A_256 : vector<4096x128xf32>
    %get3A_258 = arith.constant 0 : index
    %get3A_259 = arith.constant 0 : index
    %get3A_260 = vector.load %arg36[%get3A_258, %get3A_259] : memref<128x64xf32, #tpu.memory_space<vmem>>, vector<128x64xf32>
    %dot_general3A_261 = arith.constant dense<0.000000e+00> : vector<4096x64xf32>
    %dot_general3A_262 = tpu.matmul %max3A_257, %get3A_260, %dot_general3A_261 {dimension_numbers = #tpu.dot_dimension_numbers<[1], [0], [0], [1], [0, 0, 1, 1], [], []>, precision = #tpu.contract_precision<fp32>, transpose_lhs_hint = false} : vector<4096x128xf32>, vector<128x64xf32>, vector<4096x64xf32> -> vector<4096x64xf32>
    %get3A_263 = arith.constant 0 : index
    %get3A_264 = arith.constant 0 : index
    %get3A_265 = vector.load %arg37[%get3A_263, %get3A_264] : memref<1x64xf32, #tpu.memory_space<vmem>>, vector<1x64xf32>
    %add3A_266 = vector.broadcast %get3A_265 : vector<1x64xf32> to vector<4096x64xf32>
    %add3A_267 = arith.addf %dot_general3A_262, %add3A_266 : vector<4096x64xf32>
    %get3A_268 = arith.constant 0 : index
    %get3A_269 = arith.constant 0 : index
    %get3A_270 = vector.load %arg38[%get3A_268, %get3A_269] : memref<1x64xf32, #tpu.memory_space<vmem>>, vector<1x64xf32>
    %get3A_271 = arith.constant 0 : index
    %get3A_272 = arith.constant 0 : index
    %get3A_273 = vector.load %arg39[%get3A_271, %get3A_272] : memref<1x64xf32, #tpu.memory_space<vmem>>, vector<1x64xf32>
    %reduce_sum3A_274 = arith.constant dense<0.000000e+00> : vector<64xf32>
    %reduce_sum3A_275 = vector.multi_reduction <add>, %add3A_267, %reduce_sum3A_274 [0] : vector<4096x64xf32> to vector<64xf32>
    %broadcast_in_dim3A_276 = vector.shape_cast %reduce_sum3A_275 : vector<64xf32> to vector<1x64xf32>
    %div3A_277 = arith.constant 4.096000e+03 : f32
    %div3A_278 = vector.broadcast %div3A_277 : f32 to vector<1x64xf32>
    %div3A_279 = arith.divf %broadcast_in_dim3A_276, %div3A_278 : vector<1x64xf32>
    %sub3A_280 = vector.broadcast %div3A_279 : vector<1x64xf32> to vector<4096x64xf32>
    %sub3A_281 = arith.subf %add3A_267, %sub3A_280 : vector<4096x64xf32>
    %sub3A_282 = vector.broadcast %div3A_279 : vector<1x64xf32> to vector<4096x64xf32>
    %sub3A_283 = arith.subf %add3A_267, %sub3A_282 : vector<4096x64xf32>
    %mul3A_284 = arith.mulf %sub3A_281, %sub3A_283 : vector<4096x64xf32>
    %reduce_sum3A_285 = arith.constant dense<0.000000e+00> : vector<64xf32>
    %reduce_sum3A_286 = vector.multi_reduction <add>, %mul3A_284, %reduce_sum3A_285 [0] : vector<4096x64xf32> to vector<64xf32>
    %broadcast_in_dim3A_287 = vector.shape_cast %reduce_sum3A_286 : vector<64xf32> to vector<1x64xf32>
    %div3A_288 = arith.constant 4.096000e+03 : f32
    %div3A_289 = vector.broadcast %div3A_288 : f32 to vector<1x64xf32>
    %div3A_290 = arith.divf %broadcast_in_dim3A_287, %div3A_289 : vector<1x64xf32>
    %sub3A_291 = vector.broadcast %div3A_279 : vector<1x64xf32> to vector<4096x64xf32>
    %sub3A_292 = arith.subf %add3A_267, %sub3A_291 : vector<4096x64xf32>
    %mul3A_293 = vector.broadcast %get3A_270 : vector<1x64xf32> to vector<4096x64xf32>
    %mul3A_294 = arith.mulf %mul3A_293, %sub3A_292 : vector<4096x64xf32>
    %add3A_295 = arith.constant 9.99999974E-6 : f32
    %add3A_296 = vector.broadcast %add3A_295 : f32 to vector<1x64xf32>
    %add3A_297 = arith.addf %div3A_290, %add3A_296 : vector<1x64xf32>
    %sqrt3A_298 = math.sqrt %add3A_297 : vector<1x64xf32>
    %div3A_299 = vector.broadcast %sqrt3A_298 : vector<1x64xf32> to vector<4096x64xf32>
    %div3A_300 = arith.divf %mul3A_294, %div3A_299 : vector<4096x64xf32>
    %add3A_301 = vector.broadcast %get3A_273 : vector<1x64xf32> to vector<4096x64xf32>
    %add3A_302 = arith.addf %div3A_300, %add3A_301 : vector<4096x64xf32>
    %max3A_303 = arith.constant 0.000000e+00 : f32
    %max3A_304 = vector.broadcast %max3A_303 : f32 to vector<4096x64xf32>
    %max3A_305 = arith.maximumf %add3A_302, %max3A_304 : vector<4096x64xf32>
    %get3A_306 = arith.constant 0 : index
    %get3A_307 = arith.constant 0 : index
    %get3A_308 = vector.load %arg40[%get3A_306, %get3A_307] : memref<64x64xf32, #tpu.memory_space<vmem>>, vector<64x64xf32>
    %dot_general3A_309 = arith.constant dense<0.000000e+00> : vector<4096x64xf32>
    %dot_general3A_310 = tpu.matmul %max3A_305, %get3A_308, %dot_general3A_309 {dimension_numbers = #tpu.dot_dimension_numbers<[1], [0], [0], [1], [0, 0, 1, 1], [], []>, precision = #tpu.contract_precision<fp32>, transpose_lhs_hint = false} : vector<4096x64xf32>, vector<64x64xf32>, vector<4096x64xf32> -> vector<4096x64xf32>
    %get3A_311 = arith.constant 0 : index
    %get3A_312 = arith.constant 0 : index
    %get3A_313 = vector.load %arg41[%get3A_311, %get3A_312] : memref<1x64xf32, #tpu.memory_space<vmem>>, vector<1x64xf32>
    %add3A_314 = vector.broadcast %get3A_313 : vector<1x64xf32> to vector<4096x64xf32>
    %add3A_315 = arith.addf %dot_general3A_310, %add3A_314 : vector<4096x64xf32>
    %mul3A_316 = arith.mulf %add3A_187, %add3A_187 : vector<4096x64xf32>
    %reduce_sum3A_317 = arith.constant dense<0.000000e+00> : vector<4096xf32>
    %reduce_sum3A_318 = vector.multi_reduction <add>, %mul3A_316, %reduce_sum3A_317 [1] : vector<4096x64xf32> to vector<4096xf32>
    %broadcast_in_dim3A_319 = vector.shape_cast %reduce_sum3A_318 : vector<4096xf32> to vector<4096x1xf32>
    %sqrt3A_320 = math.sqrt %broadcast_in_dim3A_319 : vector<4096x1xf32>
    %max3A_321 = arith.constant 9.99999996E-13 : f32
    %max3A_322 = vector.broadcast %max3A_321 : f32 to vector<4096x1xf32>
    %max3A_323 = arith.maximumf %sqrt3A_320, %max3A_322 : vector<4096x1xf32>
    %div3A_324 = vector.broadcast %max3A_323 : vector<4096x1xf32> to vector<4096x64xf32>
    %div3A_325 = arith.divf %add3A_187, %div3A_324 : vector<4096x64xf32>
    %swap3A = arith.constant 0 : index
    %swap3A_326 = arith.constant 0 : index
    %swap3A_327 = vector.load %arg42[%swap3A, %swap3A_326] : memref<4096x64xf32, #tpu.memory_space<vmem>>, vector<4096x64xf32>
    tpu.vector_store %arg42[%swap3A, %swap3A_326], %div3A_325 {strides = array<i32>} : memref<4096x64xf32, #tpu.memory_space<vmem>>, vector<4096x64xf32>,
    %mul3A_328 = arith.mulf %add3A_315, %add3A_315 : vector<4096x64xf32>
    %reduce_sum3A_329 = arith.constant dense<0.000000e+00> : vector<4096xf32>
    %reduce_sum3A_330 = vector.multi_reduction <add>, %mul3A_328, %reduce_sum3A_329 [1] : vector<4096x64xf32> to vector<4096xf32>
    %broadcast_in_dim3A_331 = vector.shape_cast %reduce_sum3A_330 : vector<4096xf32> to vector<4096x1xf32>
    %sqrt3A_332 = math.sqrt %broadcast_in_dim3A_331 : vector<4096x1xf32>
    %max3A_333 = arith.constant 9.99999996E-13 : f32
    %max3A_334 = vector.broadcast %max3A_333 : f32 to vector<4096x1xf32>
    %max3A_335 = arith.maximumf %sqrt3A_332, %max3A_334 : vector<4096x1xf32>
    %div3A_336 = vector.broadcast %max3A_335 : vector<4096x1xf32> to vector<4096x64xf32>
    %div3A_337 = arith.divf %add3A_315, %div3A_336 : vector<4096x64xf32>
    %swap3A_338 = arith.constant 0 : index
    %swap3A_339 = arith.constant 0 : index
    %swap3A_340 = vector.load %arg43[%swap3A_338, %swap3A_339] : memref<4096x64xf32, #tpu.memory_space<vmem>>, vector<4096x64xf32>
    tpu.vector_store %arg43[%swap3A_338, %swap3A_339], %div3A_337 {strides = array<i32>} : memref<4096x64xf32, #tpu.memory_space<vmem>>, vector<4096x64xf32>,
    return
  }
}

</mosaic_0001>

<sc_bundles>
// kernel: kernel.6.cloned.1.call-start
scs
__scs_entry_jumppad:
0x0: {  	(pc) =	sbr.rel $0x88, $3  }
0x1: {  	(tag) =	ssettag $0x0;
	lr =	simm.s32 $0x1  }
0x2: {  	[smem:$0x3F7D] =	sst lr;
	_ =	strace $0xD0000000  }
0x3: {  	_ = 	snop  }
0x4: {  	_ = 	snop  }
0x5: {  	_ = 	snop  }
0x6: {  	_ = 	snop  }
0x7: {  	_ = 	snop  }
__scs_overlays_trampoline_lowered:
0x8: {  	[smem:$0x3F8C] =	sst s0  }
0x9: {  	[smem:$0x3F8D] =	sst s1  }
0xa: {  	[smem:$0x3F8E] =	sst s2  }
0xb: {  	[smem:$0x3F8F] =	sst s3  }
0xc: {  	[smem:$0x3F90] =	sst s4  }
0xd: {  	[smem:$0x3F91] =	sst s5  }
0xe: {  	[smem:$0x3F92] =	sst s6  }
0xf: {  	[smem:$0x3F93] =	sst s7  }
0x10: {  	[smem:$0x3F94] =	sst s8  }
0x11: {  	[smem:$0x3F95] =	sst s9;
	s0 =	simm.s32 @!p0 $0x0  }
0x12: {  	s1 =	sld [smem:$0x3F7B];
	s0 =	simm.s32 @p0 $0x1  }
0x13: {  	[smem:$0x3F96] =	sst s0;
	s0 =	simm.s32 @!p1 $0x0  }
0x14: {  	s2 =	sld [smem:$0x3F7A];
	s0 =	simm.s32 @p1 $0x1  }
0x15: {  	[smem:$0x3F97] =	sst s0;
	s0 =	simm.s32 @!p2 $0x0  }
0x16: {  	s3 =	sld [smem:$0x3FDB];
	s0 =	simm.s32 @p2 $0x1  }
0x17: {  	s4 =	simm.s32 $0x1BF5;
	[smem:$0x3F99] =	sst s0  }
0x18: {  	s0 =	sld [smem:$0x3F7C];
	_ =	swait.ge [sflag:s4], $0x0  }
0x19: {  	s7 =	sld [smem:$0x3F7D]  }
0x1a: {  	s8 =	sadd.s32 $0xFFFFE003, lr  }
0x1b: {  	s9 =	sadd.s32 $0xFFFFFEF7, lr;
	s5 =	simm.s32 $0xFFFFFFFF;
	p2 =	slt.u32 s8, $0xFFFFF086  }
0x1c: {  	p1 =	slt.u32 s9, $0xF7A;
	s5 =	simm.s32 @!p2 $0x0  }
0x1d: {  	s5 =	simm.s32 @p1 $0x1;
	p0 =	seq.s32 s7, s2  }
0x1e: {  	s7 =	smul.u32 @!p0 $0xF7A, s2;
	p2 =	seq.s32 @!p0 s5, $0x0  }
0x1f: {  	s9 =	smul.u32 $0xF7A, s1;
	s8 =	simm.s32 @!p0 $0x1BF5;
	p2 =	por !p2, p0  }
0x20: {  	[sflag:s8] =	ssyncset.s32 @!p0 $0xFFFFF086;
	s6 =	sadd.s32 @!p0 s3, s7;
	s7 =	simm.s32 @!p0 $0x108  }
0x21: {  	s3 =	sadd.s32 s3, s9;
	s6 =	sadd.s32 @!p0 $0x88, s6;
	s7 =	simm.s32 @p2 $0x1082  }
0x22: {  	[simem:s7], [sflag:s8] =	dma.local @!p0 [hbm:s6], $0xF7A  }
0x23: {  	s9 =	sor.u32 $0xD0000000, s2;
	s6 =	simm.s32 $0x108;
	_ =	swait.ge @!p0 [sflag:s8], $0x0  }
0x24: {  	s3 =	sadd.s32 $0x88, s3;
	s6 =	simm.s32 @!p1 $0x1082;
	[sflag:s4] =	ssyncset.s32 $0xFFFFF086  }
0x25: {  	[simem:s6], [sflag:s4] =	dma.local [hbm:s3], $0xF7A  }
0x26: {  	[smem:$0x3F7D] =	sst s1;
	(tag) =	ssettag s2;
	_ =	strace s9  }
0x27: {  	s1 =	sld [smem:$0x3F8D]  }
0x28: {  	s2 =	sld [smem:$0x3F8E]  }
0x29: {  	s4 =	sld [smem:$0x3F90]  }
0x2a: {  	p0 =	seq.s32 s5, $0x0;
	s5 =	sld [smem:$0x3F91]  }
0x2b: {  	s6 =	sld [smem:$0x3F92]  }
0x2c: {  	s7 =	sld [smem:$0x3F93]  }
0x2d: {  	s3 =	simm.s32 $0x108;
	s8 =	sld [smem:$0x3F94]  }
0x2e: {  	s3 =	simm.s32 @!p0 $0x1082;
	s9 =	sld [smem:$0x3F95]  }
0x2f: {  	lr =	sadd.s32 s0, s3;
	s0 =	sld [smem:$0x3F8C]  }
0x30: {  	s3 =	sld [smem:$0x3F8F]  }
0x31: {  	[smem:$0x3F98] =	sst s10  }
0x32: {  	s10 =	sld [smem:$0x3F96];
	_ =	sdelay $0x3  }
0x33: {  	p0 =	seq.s32 s10, $0x1;
	s10 =	sld [smem:$0x3F98];
	_ =	sdelay $0x3  }
0x34: {  	[smem:$0x3F98] =	sst s10  }
0x35: {  	s10 =	sld [smem:$0x3F97];
	_ =	sdelay $0x3  }
0x36: {  	p1 =	seq.s32 s10, $0x1;
	s10 =	sld [smem:$0x3F98];
	_ =	sdelay $0x3  }
0x37: {  	[smem:$0x3F98] =	sst s10  }
0x38: {  	s10 =	sld [smem:$0x3F99]  }
0x39: {  	_ = 	snop;
	(pc) =	sbr.ind lr, $3  }
0x3a: {  	_ = 	snop  }
0x3b: {  	_ = 	snop  }
0x3c: {  	p2 =	seq.s32 s10, $0x1;
	s10 =	sld [smem:$0x3F98]  }
0x3d: {  	_ =	shalt  }
0x3e: {  	_ =	shalt  }
0x3f: {  	_ =	shalt  }
0x40: {  	_ =	shalt  }
0x41: {  	_ =	shalt  }
0x42: {  	_ =	shalt  }
0x43: {  	_ =	shalt  }
0x44: {  	_ =	shalt  }
0x45: {  	_ =	shalt  }
0x46: {  	_ =	shalt  }
0x47: {  	_ =	shalt  }
0x48: {  	_ =	shalt  }
0x49: {  	_ =	shalt  }
0x4a: {  	_ =	shalt  }
0x4b: {  	_ =	shalt  }
0x4c: {  	_ =	shalt  }
0x4d: {  	_ =	shalt  }
0x4e: {  	_ =	shalt  }
0x4f: {  	_ =	shalt  }
0x50: {  	_ =	shalt  }
0x51: {  	_ =	shalt  }
0x52: {  	_ =	shalt  }
0x53: {  	_ =	shalt  }
0x54: {  	_ =	shalt  }
0x55: {  	_ =	shalt  }
0x56: {  	_ =	shalt  }
0x57: {  	_ =	shalt  }
0x58: {  	_ =	shalt  }
0x59: {  	_ =	shalt  }
0x5a: {  	_ =	shalt  }
0x5b: {  	_ =	shalt  }
0x5c: {  	_ =	shalt  }
0x5d: {  	_ =	shalt  }
0x5e: {  	_ =	shalt  }
0x5f: {  	_ =	shalt  }
0x60: {  	_ =	shalt  }
0x61: {  	_ =	shalt  }
0x62: {  	_ =	shalt  }
0x63: {  	_ =	shalt  }
0x64: {  	_ =	shalt  }
0x65: {  	_ =	shalt  }
0x66: {  	_ =	shalt  }
0x67: {  	_ =	shalt  }
0x68: {  	_ =	shalt  }
0x69: {  	_ =	shalt  }
0x6a: {  	_ =	shalt  }
0x6b: {  	_ =	shalt  }
0x6c: {  	_ =	shalt  }
0x6d: {  	_ =	shalt  }
0x6e: {  	_ =	shalt  }
0x6f: {  	_ =	shalt  }
0x70: {  	_ =	shalt  }
0x71: {  	_ =	shalt  }
0x72: {  	_ =	shalt  }
0x73: {  	_ =	shalt  }
0x74: {  	_ =	shalt  }
0x75: {  	_ =	shalt  }
0x76: {  	_ =	shalt  }
0x77: {  	_ =	shalt  }
0x78: {  	_ =	shalt  }
0x79: {  	_ =	shalt  }
0x7a: {  	_ =	shalt  }
0x7b: {  	_ =	shalt  }
0x7c: {  	_ =	shalt  }
0x7d: {  	_ =	shalt  }
0x7e: {  	_ =	shalt  }
0x7f: {  	_ =	shalt  }
0x80: {  	_ =	shalt  }
0x81: {  	_ =	shalt  }
0x82: {  	_ =	shalt  }
0x83: {  	_ =	shalt  }
0x84: {  	_ =	shalt  }
0x85: {  	_ =	shalt  }
0x86: {  	_ =	shalt  }
0x87: {  	_ =	shalt  }
.Lfunc_end0:
.L_simem_size_0:
called_computation_lowered:
.L_overlay_start_0:
0x88: {  	s2 =	sld [smem:$0x3FD9]  }
0x89: {  	s3 =	sld [smem:$0x3FFE];
	_ =	sdelay $0x1  }
0x8a: {  	s1 =	srdreg.scid  }
0x8b: {  	s0 =	sand.u32 $0x1, s1  }
0x8c: {  	s14 =	sshll.u32 s0, $0xA;
	s2 =	sadd.s32 s3, s2  }
0x8d: {  	s2 =	sadd.s32 s2, s14  }
0x8e: {  	[smem:$0x3FA4] =	sst s2  }
0x8f: {  	_ = 	snop  }
0x90: {  	s2 =	sld [smem:$0x3FD0]  }
0x91: {  	s15 =	sld [smem:$0x3FC4]  }
0x92: {  	s4 =	sld [smem:$0x3FC3]  }
0x93: {  	s6 =	simm.s32 $0xB;
	s7 =	simm.s32 $0x10;
	s5 =	sld [smem:$0x3FC1]  }
0x94: {  	[smem:s7], [sflag:s6] =	dma.local [hbm:s2], $0x1  }
0x95: {  	_ =	swait.eq [sflag:s6], $0x1  }
0x96: {  	[sflag:s6] =	ssyncset.done $0x0  }
0x97: {  	[sflag:s6] =	ssyncadd.s32 $0xFFFFFFFF  }
0x98: {  	s16 =	sld [smem:$0x11];
	(tm) =	ssettm $0x1  }
0x99: {  	s17 =	sld [smem:$0x3FFB];
	_ =	sdelay $0x3  }
0x9a: {  	_ =	strace s17  }
0x9b: {  	s6 =	sld [smem:$0x3FFC];
	_ =	sdelay $0x3  }
0x9c: {  	_ =	strace s6  }
0x9d: {  	s6 =	sld [smem:$0x3FFD];
	_ =	sdelay $0x3  }
0x9e: {  	_ =	strace s6  }
0x9f: {  	_ =	strace $0x8FFFFFFF  }
0xa0: {  	s18 =	sld [smem:$0x3FDB];
	_ =	sdelay $0x1  }
0xa1: {  	s19 =	simm.s32 $_scs_section_size  }
0xa2: {  	s8 =	simm.s32 $_size__tile_overlayer_lowered;
	s9 =	simm.s32 $_tile_overlayer_lowered  }
0xa3: {  	s22 =	simm.s32 $0x1BFF;
	s21 =	sshll.u32 s9, $0x1;
	s6 =	sadd.s32 s19, s18  }
0xa4: {  	s10 =	simm.s32 $0x0;
	s20 =	sshll.u32 s8, $0x1;
	s8 =	sadd.s32 s21, s6  }
0xa5: {  	[timem:s10], [sflag:s22] =	dma.local [hbm:s8], s20  }
0xa6: {  	_ =	swait.ge [sflag:s22], s20  }
0xa7: {  	s7 =	ssub.s32 $0x0, s20;
	[sflag:s22] =	ssyncset.done $0x0  }
0xa8: {  	[sflag:s22] =	ssyncadd.s32 s7;
	_ =	sdelay $0x1  }
0xa9: {  	s23 =	simm.s32 $0x1B8B  }
0xaa: {  	_ =	swait.ge [sflag:s23], $0x1  }
0xab: {  	[sflag:s23] =	ssyncset.done $0x0  }
0xac: {  	s25 =	simm.s32 $0x1B8E;
	s24 =	sld [smem:$0x3FFE];
	[sflag:s23] =	ssyncadd.s32 $0xFFFFFFFF  }
0xad: {  	s26 =	simm.s32 $execute0_lowered;
	[smem:$0x3FD2] =	sst s25  }
0xae: {  	s8 =	sshll.u32 s26, $0x1;
	_ =	strace $0x80000046;
	[dreg:$0x1] =	wrdreg $0xFFFFFFFF  }
0xaf: {  	s28 =	simm.s32 $_size_execute0_lowered;
	s6 =	sadd.s32 s6, s8;
	[dreg:$0x0] =	wrdreg $0x0  }
0xb0: {  	s8 =	sshll.u32 s28, $0x1;
	[dreg:$0x2] =	wrdreg s6  }
0xb1: {  	[dreg:$0x3] =	wrdreg s8  }
0xb2: {  	[dreg:$0x4] =	wrdreg $0xC0  }
0xb3: {  	_ =	task [dreg:s10], $0x5FFFF  }
0xb4: {  	[dreg:$0x1] =	wrdreg $0xFFFFFFFF  }
0xb5: {  	[dreg:$0x0] =	wrdreg $0x60  }
0xb6: {  	[dreg:$0x2] =	wrdreg s24  }
0xb7: {  	[dreg:$0x3] =	wrdreg s5  }
0xb8: {  	[dreg:$0x4] =	wrdreg s15  }
0xb9: {  	[dreg:$0x5] =	wrdreg s4  }
0xba: {  	[dreg:$0x6] =	wrdreg s16  }
0xbb: {  	[dreg:$0x7] =	wrdreg $0x9  }
0xbc: {  	_ =	task.clear_ibuf [dreg:s10], $0x8FFFF;
	_ =	strace $0x90000046  }
0xbd: {  	s29 =	simm.s32 $0x9;
	_ =	strace $0x80000048  }
0xbe: {  	_ =	swait.ge [sflag:s29], $0x1  }
0xbf: {  	[sflag:s29] =	ssyncadd.s32 $0xFFFFFFFF  }
0xc0: {  	_ =	strace $0x90000048  }
0xc1: {  	_ =	sfence  }
0xc2: {  	s30 =	sld [smem:$0x0];
	_ =	sdelay $0x2  }
0xc3: {  	s31 =	sshll.u32 s1, $0xD;
	s1 =	sshrl.u32 s1, $0x2  }
0xc4: {  	s3 =	sand.u32 $0x4000, s31;
	s1 =	sadd.s32 s1, s30  }
0xc5: {  	s0 =	sor.u32 s3, s0;
	s1 =	sshll.u32 s1, $0x11  }
0xc6: {  	s0 =	sor.u32 s1, s0  }
0xc7: {  	s0 =	sadd.s32 $0x8F2B, s0  }
0xc8: {  	[sflag:s0] =	ssyncadd.remote.s32 $0x1  }
0xc9: {  	_ =	sfence.sel $0xFFFF  }
0xca: {  	[dreg:$0x0] =	wrdreg $0xFFFFFFFF;
	(pc) =	sbr.abs _section_cstart, $3  }
0xcb: {  	[dreg:$0x1] =	wrdreg $0xFFFFFFFF  }
0xcc: {  	_ =	task.clear_ibuf [dreg:s10], $0x2FFFF;
	_ =	strace $0x9FFFFFFF  }
0xcd: {  	(tm) =	ssettm $0x7FFFFFFF  }
tec
execute0_lowered:
.L_overlay_start_1:
0x0: {  	(tag) =	ssettag $0x1  }
0x1: {  	s0 =	rddreg [dreg:$0x0]  }
0x2: {  	s1 =	rddreg [dreg:$0x1]  }
0x3: {  	s7 =	rddreg [dreg:$0x2]  }
0x4: {  	s8 =	rddreg [dreg:$0x3];
	s2 =	simm.s32 $0x0;
	s21 =	srdreg.scid  }
0x5: {  	v0 =	vimm.s32 $0x2380;
	vm0 =	vcmask $0x300;
	s11 =	stileid.u32;
	s28 =	simm.s32 $0x6600;
	s29 =	simm.s32 $0x7280  }
0x6: {  	vm14 =	vcmask $0x704;
	s30 =	simm.s32 $0xB280;
	s31 =	simm.s32 $0xBA80;
	[smem:$0x7FF] =	sst s2;
	v0 =	vsel vm0, $0x0, v0  }
0x7: {  	vm15 =	vcmask $0xB08;
	s3 =	sadd.s32 $0x6A00, s0;
	s4 =	sadd.s32 $0x1FA00, s0;
	s5 =	sadd.s32 $0x38A00, s0;
	v0 =	vsel vm14, $0x80, v0  }
0x8: {  	vm4 =	vcmask $0xF0C;
	s6 =	sadd.s32 $0x51A00, s0;
	s9 =	sadd.s32 $0x6AA00, s0;
	s10 =	sadd.s32 $0x6B200, s0;
	v0 =	vsel vm15, $0x100, v0  }
0x9: {  	vm5 =	vcmask $0x1310;
	_ =	strace $0x80000047;
	[dreg:$0x6] =	wrdreg s9;
	s9 =	sand.u32 $0x1, s21;
	v0 =	vsel vm4, $0x180, v0  }
0xa: {  	vm6 =	vcmask $0x1714;
	s12 =	sshll.u32 s11, $0x8;
	s11 =	sadd.s32 $0xEB400, s0;
	s13 =	sshll.u32 s9, $0x7;
	v0 =	vsel vm5, $0x200, v0  }
0xb: {  	vm7 =	vcmask $0x1B18;
	[dreg:$0x7] =	wrdreg s10;
	s10 =	sadd.s32 $0x6B400, s0;
	s12 =	sor.u32 s13, s12;
	v0 =	vsel vm6, $0x280, v0  }
0xc: {  	vm8 =	vcmask $0x1F1C;
	s21 =	simm.s32 $0x2;
	s9 =	ssub.s32 $0x2, s9;
	s22 =	sshrl.u32 s12, $0x3;
	v0 =	vsel vm7, $0x300, v0  }
0xd: {  	vm9 =	vcmask $0x2320;
	s13 =	sadd.s32 $0xFB400, s0;
	s15 =	sshrl.u32 s9, $0x1;
	s1 =	sadd.s32 s1, s22;
	v0 =	vsel vm8, $0x380, v0  }
0xe: {  	vm10 =	vcmask $0x2724;
	s14 =	sshll.u32 s12, $0x4;
	s24 =	sadd.s32 s7, s22;
	[dreg:$0x8] =	wrdreg s1;
	v0 =	vsel vm9, $0x2000, v0  }
0xf: {  	vm11 =	vcmask $0x2B28;
	s0 =	sadd.s32 s14, s0;
	s26 =	sadd.s32 s8, s22;
	[dreg:$0xa] =	wrdreg s24;
	v0 =	vsel vm10, $0x2080, v0  }
0x10: {  	vm12 =	vcmask $0x2F2C;
	s9 =	ssub.s32 s9, s15;
	s23 =	sadd.s32 $0x10B400, s0;
	[dreg:$0xc] =	wrdreg s26;
	v1 =	vsel vm11, $0x2100, v0  }
0x11: {  	vm13 =	vcmask $0x3330;
	v4 =	vlaneseq.u32;
	s20 =	smax.u32 s9, $0x1;
	s25 =	sadd.s32 $0x11B400, s0;
	[dreg:$0x9] =	wrdreg s23;
	v1 =	vsel vm12, $0x2180, v1  }
0x12: {  	v3 =	vimm.f32 $1.000000000e+00;
	vm14 =	vcmask $0x3734;
	s22 =	simm.s32 $0x80;
	s0 =	sadd.s32 $0x12B400, s0;
	[dreg:$0xb] =	wrdreg s25;
	v2 =	vsel vm13, $0x2200, v1  }
0x13: {  	vm15 =	vcmask $0x3B38;
	s24 =	simm.s32 $0x4080;
	s26 =	simm.s32 $0x5980;
	[dreg:$0xd] =	wrdreg s0;
	v0 =	vimm.f32 $0.0e+00;
	v2 =	vsel vm14, $0x2280, v2  }
0x14: {  	s23 =	simm.s32 $0x1;
	s25 =	simm.s32 $0x4D00;
	s0 =	simm.s32 $0x0;
	v1 =	vmul.u32 $0xC8, v4;
	v4 =	vmul.u32 $0x80, v4;
	v2 =	vsel vm15, $0x2300, v2  }
.LBB2_1:
0x15: {  	s1 =	rddreg [dreg:$0x8]  }
0x16: {  	[tilespmem:s2], [sflag:$0x2] =	stream.linear.gather [hbm4b:s1+s2], $0x80, $0x38;
	[tilespmem:$0xC280] =	vst v63  }
0x17: {  	_ =	swait.ge [sflag:s21], $0x80  }
0x18: {  	[sflag:s21] =	ssyncset.done $0x0  }
0x19: {  	[sflag:s21] =	ssyncadd.s32 $0xFFFFFF80  }
0x1a: {  	s8 =	rddreg [dreg:$0x4]  }
0x1b: {  	[tilespmem:s22], [sflag:$0x1] =	stream.indirect.gather [hbm4b:s8+s22], $0x80, s2, s22, $0xb8;
	[tilespmem:$0xC280] =	vst v63  }
0x1c: {  	_ =	swait.ge [sflag:s23], $0x4000  }
0x1d: {  	[sflag:s23] =	ssyncset.done $0x0  }
0x1e: {  	s9 =	rddreg [dreg:$0x9];
	[sflag:s23] =	ssyncadd.s32 $0xFFFFC000  }
0x1f: {  	[hbm4b:s9+s2] =	stream.linear.scatter [tilespmem:s22], [sflag:$0x2], $0x4000, $0x38;
	[tilespmem:$0xC280] =	vst v63  }
0x20: {  	_ =	swait.ge [sflag:s21], $0x4000  }
0x21: {  	[sflag:s21] =	ssyncset.done $0x0  }
0x22: {  	s14 =	rddreg [dreg:$0xa];
	[sflag:s21] =	ssyncadd.s32 $0xFFFFC000  }
0x23: {  	[tilespmem:s2], [sflag:$0x2] =	stream.linear.gather [hbm4b:s14+s2], $0x80, $0x38;
	[tilespmem:$0xC280] =	vst v63  }
0x24: {  	_ =	swait.ge [sflag:s21], $0x80  }
0x25: {  	[sflag:s21] =	ssyncset.done $0x0  }
0x26: {  	s15 =	rddreg [dreg:$0x6];
	[sflag:s21] =	ssyncadd.s32 $0xFFFFFF80  }
0x27: {  	[tilespmem:s22], [sflag:$0x1] =	stream.indirect.gather [hbm4b:s15+s22], $0x80, s2, s22, $0xb8;
	[tilespmem:$0xC280] =	vst v63  }
0x28: {  	_ =	swait.ge [sflag:s23], $0x4000  }
0x29: {  	[sflag:s23] =	ssyncset.done $0x0  }
0x2a: {  	s16 =	rddreg [dreg:$0xb];
	[sflag:s23] =	ssyncadd.s32 $0xFFFFC000  }
0x2b: {  	[hbm4b:s16+s2] =	stream.linear.scatter [tilespmem:s22], [sflag:$0x2], $0x4000, $0x38;
	[tilespmem:$0xC280] =	vst v63  }
0x2c: {  	_ =	swait.ge [sflag:s21], $0x4000  }
0x2d: {  	[sflag:s21] =	ssyncset.done $0x0  }
0x2e: {  	s17 =	rddreg [dreg:$0xc];
	[sflag:s21] =	ssyncadd.s32 $0xFFFFC000  }
0x2f: {  	[tilespmem:s2], [sflag:$0x2] =	stream.linear.gather [hbm4b:s17+s2], $0x80, $0x38;
	[tilespmem:$0xC280] =	vst v63  }
0x30: {  	_ =	swait.ge [sflag:s21], $0x80  }
0x31: {  	[sflag:s21] =	ssyncset.done $0x0  }
0x32: {  	s18 =	rddreg [dreg:$0x7];
	[sflag:s21] =	ssyncadd.s32 $0xFFFFFF80  }
0x33: {  	[tilespmem:s22], [sflag:$0x1] =	stream.indirect.gather [hbm4b:s18+s22], $0x80, s2, s22, $0xb8;
	[tilespmem:$0xC280] =	vst v63  }
0x34: {  	_ =	swait.ge [sflag:s23], $0x4000  }
0x35: {  	[sflag:s23] =	ssyncset.done $0x0  }
0x36: {  	s19 =	rddreg [dreg:$0xd];
	[sflag:s23] =	ssyncadd.s32 $0xFFFFC000  }
0x37: {  	[hbm4b:s19+s2] =	stream.linear.scatter [tilespmem:s22], [sflag:$0x2], $0x4000, $0x38;
	[tilespmem:$0xC280] =	vst v63  }
0x38: {  	_ =	swait.ge [sflag:s21], $0x4000  }
0x39: {  	[sflag:s21] =	ssyncset.done $0x0  }
0x3a: {  	s1 =	simm.s32 $0x0;
	[sflag:s21] =	ssyncadd.s32 $0xFFFFC000  }
.LBB2_2:
0x3b: {  	s8 =	sshll.u32 s1, $0xA;
	s7 =	sshll.u32 s1, $0x7  }
0x3c: {  	s8 =	sand.u32 $0x2000, s8;
	s9 =	sand.u32 $0x380, s7  }
0x3d: {  	s9 =	sor.u32 s9, s8;
	s8 =	simm.s32 $0x0  }
0x3e: {  	s9 =	sadd.s32 $0x7280, s9;
	s14 =	sand.u32 $0x1C00, s8  }
0x3f: {  	s15 =	sand.u32 $0x70, s8;
	s16 =	sadd.s32 s14, s9  }
0x40: {  	s14 =	simm.s32 $0x10;
	s15 =	sadd.s32 s15, s16  }
.LBB2_3:
0x41: {  	p0 =	sne.s32 s14, $0x3E0  }
0x42: {  	[tilespmem:s15+$0x0] =	vst v0;
	s8 =	sadd.s32 $0x80, s8;
	s15 =	smov.u32 s14;
	s14 =	sadd.s32 $0x10, s14  }
.Ltmp0:
0x43: {  	(pc) =	sbr.rel @p0 .LBB2_3-.Ltmp0, $4  }
0x44: {  	_ = 	snop  }
0x45: {  	s16 =	sand.u32 $0x1C00, s8  }
0x46: {  	s15 =	sand.u32 $0x70, s15;
	s16 =	sadd.s32 s16, s9  }
0x47: {  	s15 =	sadd.s32 s15, s16  }
0x48: {  	s1 =	sadd.s32 $0x1, s1  }
0x49: {  	p0 =	sne.s32 s1, $0x10  }
.Ltmp1:
0x4a: {  	_ = 	snop;
	(pc) =	sbr.rel @p0 .LBB2_2-.Ltmp1, $4  }
0x4b: {  	_ = 	snop  }
0x4c: {  	[tilespmem:s15+$0x0] =	vst v0  }
0x4d: {  	[tilespmem:s7+$0xB280] =	vst v0  }
0x4e: {  	s8 =	simm.s32 $0x0;
	[tilespmem:s7+$0xBA80] =	vst v0  }
0x4f: {  	s1 =	simm.s32 $0x0  }
.LBB2_6:
0x50: {  	s7 =	sshll.u32 s1, $0x4  }
0x51: {  	s7 =	sadd.s32 s12, s7  }
0x52: {  	s9 =	smul.u32 $0x19, s7;
	_ =	sdelay $0x1  }
0x53: {  	s14 =	sadd.s32 s3, s9  }
0x54: {  	[tilespmem:s24], [sflag:$0x2] =	stream.linear.gather [hbm4b:s14+s8], $0xC80, $0x38;
	[tilespmem:$0xC280] =	vst v63  }
0x55: {  	_ =	swait.ge [sflag:s21], $0xC80  }
0x56: {  	[sflag:s21] =	ssyncset.done $0x0  }
0x57: {  	s17 =	sadd.s32 s4, s9;
	[sflag:s21] =	ssyncadd.s32 $0xFFFFF380  }
0x58: {  	[tilespmem:s25], [sflag:$0x2] =	stream.linear.gather [hbm4b:s17+s8], $0xC80, $0x38;
	[tilespmem:$0xC280] =	vst v63  }
0x59: {  	_ =	swait.ge [sflag:s21], $0xC80  }
0x5a: {  	[sflag:s21] =	ssyncset.done $0x0  }
0x5b: {  	s18 =	sadd.s32 s5, s9;
	[sflag:s21] =	ssyncadd.s32 $0xFFFFF380  }
0x5c: {  	[tilespmem:s26], [sflag:$0x2] =	stream.linear.gather [hbm4b:s18+s8], $0xC80, $0x38;
	[tilespmem:$0xC280] =	vst v63  }
0x5d: {  	_ =	swait.ge [sflag:s21], $0xC80  }
0x5e: {  	[sflag:s21] =	ssyncset.done $0x0  }
0x5f: {  	v5 =	vadd.s32 s8, v1;
	s9 =	sadd.s32 s6, s9;
	[sflag:s21] =	ssyncadd.s32 $0xFFFFF380  }
0x60: {  	[tilespmem:s28], [sflag:$0x2] =	stream.linear.gather [hbm4b:s9+s8], $0xC80, $0x38;
	[tilespmem:$0xC280] =	vst v63  }
0x61: {  	_ =	swait.ge [sflag:s21], $0xC80  }
0x62: {  	[sflag:s21] =	ssyncset.done $0x0  }
0x63: {  	[sflag:s21] =	ssyncadd.s32 $0xFFFFF380  }
0x64: {  	v6 =	vld.idx.msk [tilespmem:v5+s25+$0x0], $0xffff;
	_ =	sdelay $0x1  }
0x65: {  	v7 =	vld.idx.msk [tilespmem:v5+s24+$0x0], $0xffff;
	_ =	sdelay $0x2  }
0x66: {  	v9 =	vshll.u32 v6, $0x3  }
0x67: {  	v6 =	vand.u32 $0x7F, v6;
	v9 =	vand.u32 $0xFFFFFC00, v9  }
0x68: {  	v8 =	vld.idx.msk [tilespmem:v5+s26+$0x0], $0xffff;
	vm0 =	vgt.s32 v7, $0x0;
	v6 =	vor.u32 v6, v9  }
0x69: {  	v5 =	vld.idx.msk [tilespmem:v5+s28+$0x0], $0xffff;
	v6 =	vadd.s32 v2, v6;
	_ =	sdelay $0x3  }
0x6a: {  	v7 =	vadd.s32 v4, v8  }
0x6b: {  	s19 =	simm.s32 $0x1;
	[tilespmem:v6+s29+$0x0] =	vst.idx.add.f32.msk vm0, v3;
	v6 =	vadd.s32 v4, v5  }
0x6c: {  	v5 =	vadd.s32 s19, v1;
	_ =	sdelay $0x2  }
0x6d: {  	s9 =	simm.s32 $0x2;
	[tilespmem:v7+s30+$0x0] =	vst.idx.add.f32.msk vm0, v3  }
.LBB2_7:
0x6e: {  	p0 =	sne.s32 s9, $0xC7;
	[tilespmem:v6+s31+$0x0] =	vst.idx.add.f32.msk vm0, v3;
	s14 =	smov.u32 s9;
	s9 =	sadd.s32 $0x1, s9  }
0x6f: {  	v6 =	vld.idx.msk [tilespmem:v5+s25+$0x0], $0xffff;
	_ =	sdelay $0x1  }
0x70: {  	v7 =	vld.idx.msk [tilespmem:v5+s24+$0x0], $0xffff;
	_ =	sdelay $0x1  }
0x71: {  	v8 =	vld.idx.msk [tilespmem:v5+s26+$0x0], $0xffff  }
0x72: {  	v5 =	vld.idx.msk [tilespmem:v5+s28+$0x0], $0xffff  }
0x73: {  	v9 =	vshll.u32 v6, $0x3  }
0x74: {  	v6 =	vand.u32 $0x7F, v6;
	v9 =	vand.u32 $0xFFFFFC00, v9  }
0x75: {  	vm0 =	vgt.s32 v7, $0x0;
	v6 =	vor.u32 v6, v9  }
0x76: {  	v7 =	vadd.s32 v2, v6  }
0x77: {  	v8 =	vadd.s32 v4, v8  }
.Ltmp2:
0x78: {  	v6 =	vadd.s32 v4, v5;
	(pc) =	sbr.rel @p0 .LBB2_7-.Ltmp2, $3  }
0x79: {  	v5 =	vadd.s32 s14, v1;
	_ =	sdelay $0x1  }
0x7a: {  	[tilespmem:v7+s29+$0x0] =	vst.idx.add.f32.msk vm0, v3  }
0x7b: {  	[tilespmem:v8+s30+$0x0] =	vst.idx.add.f32.msk vm0, v3  }
0x7c: {  	_ =	sdelay $0x4  }
0x7d: {  	[tilespmem:v6+s31+$0x0] =	vst.idx.add.f32.msk vm0, v3  }
0x7e: {  	v6 =	vld.idx.msk [tilespmem:v5+s25+$0x0], $0xffff;
	_ =	sdelay $0x1  }
0x7f: {  	v7 =	vld.idx.msk [tilespmem:v5+s24+$0x0], $0xffff;
	_ =	sdelay $0x1  }
0x80: {  	v8 =	vld.idx.msk [tilespmem:v5+s26+$0x0], $0xffff  }
0x81: {  	v5 =	vld.idx.msk [tilespmem:v5+s28+$0x0], $0xffff;
	v9 =	vshll.u32 v6, $0x3  }
0x82: {  	v6 =	vand.u32 $0x7F, v6;
	v9 =	vand.u32 $0xFFFFFC00, v9  }
0x83: {  	vm15 =	vgt.s32 v7, $0x0;
	v6 =	vor.u32 v6, v9  }
0x84: {  	v6 =	vadd.s32 v2, v6  }
0x85: {  	v7 =	vadd.s32 v4, v8  }
0x86: {  	v5 =	vadd.s32 v4, v5;
	_ =	sdelay $0x2  }
0x87: {  	[tilespmem:v6+s29+$0x0] =	vst.idx.add.f32.msk vm15, v3  }
0x88: {  	s9 =	sshll.u32 s7, $0x7;
	[tilespmem:v7+s30+$0x0] =	vst.idx.add.f32.msk vm15, v3  }
0x89: {  	s14 =	sadd.s32 s10, s9;
	s9 =	simm.s32 $0x0;
	[tilespmem:v5+s31+$0x0] =	vst.idx.add.f32.msk vm15, v3  }
0x8a: {  	[hbm4b:s14+s9] =	stream.linear.scatter [tilespmem:s29], [sflag:$0x2], $0x4000, $0x38;
	[tilespmem:$0xC280] =	vst v63  }
0x8b: {  	_ =	swait.ge [sflag:s21], $0x4000  }
0x8c: {  	s18 =	sshll.u32 s7, $0x4;
	[sflag:s21] =	ssyncset.done $0x0  }
0x8d: {  	s19 =	sadd.s32 s11, s18;
	[sflag:s21] =	ssyncadd.s32 $0xFFFFC000  }
0x8e: {  	[hbm4b:s19+s9] =	stream.linear.scatter [tilespmem:s30], [sflag:$0x2], $0x800, $0x38;
	[tilespmem:$0xC280] =	vst v63  }
0x8f: {  	_ =	swait.ge [sflag:s21], $0x800  }
0x90: {  	[sflag:s21] =	ssyncset.done $0x0  }
0x91: {  	s7 =	sadd.s32 s13, s18;
	[sflag:s21] =	ssyncadd.s32 $0xFFFFF800  }
0x92: {  	[hbm4b:s7+s9] =	stream.linear.scatter [tilespmem:s31], [sflag:$0x2], $0x800, $0x38;
	[tilespmem:$0xC280] =	vst v63  }
0x93: {  	_ =	swait.ge [sflag:s21], $0x800  }
0x94: {  	[sflag:s21] =	ssyncset.done $0x0  }
0x95: {  	s7 =	simm.s32 $0x0;
	[sflag:s21] =	ssyncadd.s32 $0xFFFFF800  }
.LBB2_9:
0x96: {  	s15 =	sshll.u32 s7, $0xA;
	s14 =	sshll.u32 s7, $0x7  }
0x97: {  	s15 =	sand.u32 $0x2000, s15;
	s16 =	sand.u32 $0x380, s14  }
0x98: {  	s15 =	sor.u32 s16, s15  }
0x99: {  	s19 =	sand.u32 $0x1C00, s9;
	s15 =	sadd.s32 $0x7280, s15  }
0x9a: {  	s17 =	sand.u32 $0x70, s9;
	s18 =	sadd.s32 s19, s15  }
0x9b: {  	s16 =	simm.s32 $0x10;
	s18 =	sadd.s32 s17, s18;
	s17 =	simm.s32 $0x0  }
.LBB2_10:
0x9c: {  	p0 =	sne.s32 s16, $0x3E0  }
0x9d: {  	[tilespmem:s18+$0x0] =	vst v0;
	s17 =	sadd.s32 $0x80, s17;
	s18 =	smov.u32 s16;
	s16 =	sadd.s32 $0x10, s16  }
.Ltmp3:
0x9e: {  	(pc) =	sbr.rel @p0 .LBB2_10-.Ltmp3, $4  }
0x9f: {  	_ = 	snop  }
0xa0: {  	s19 =	sand.u32 $0x1C00, s17  }
0xa1: {  	s18 =	sand.u32 $0x70, s18;
	s19 =	sadd.s32 s19, s15  }
0xa2: {  	s18 =	sadd.s32 s18, s19  }
0xa3: {  	s7 =	sadd.s32 $0x1, s7  }
0xa4: {  	p0 =	sne.s32 s7, $0x10  }
.Ltmp4:
0xa5: {  	_ = 	snop;
	(pc) =	sbr.rel @p0 .LBB2_9-.Ltmp4, $4  }
0xa6: {  	_ = 	snop  }
0xa7: {  	[tilespmem:s18+$0x0] =	vst v0  }
0xa8: {  	[tilespmem:s14+$0xB280] =	vst v0  }
0xa9: {  	[tilespmem:s14+$0xBA80] =	vst v0  }
0xaa: {  	s1 =	sadd.s32 $0x1, s1  }
0xab: {  	p0 =	sne.s32 s1, $0x8  }
.Ltmp5:
0xac: {  	_ = 	snop;
	(pc) =	sbr.rel @p0 .LBB2_6-.Ltmp5, $1  }
0xad: {  	_ =	sdelay $0x3  }
0xae: {  	s0 =	sadd.s32 $0x1, s0  }
0xaf: {  	p0 =	sne.s32 s0, s20  }
.Ltmp6:
0xb0: {  	_ = 	snop;
	(pc) =	sbr.rel @p0 .LBB2_1-.Ltmp6, $1  }
0xb1: {  	_ =	sdelay $0x3  }
0xb2: {  	_ =	sfence.sel $0x180000  }
0xb3: {  	[bflag:$0x0] =	sbarrier.arrive $0xFFFF  }
0xb4: {  	_ =	strace $0x90000047  }
0xb5: {  	s0 =	stileid.u32;
	[bflag:$0x2] =	sbarrier.arrive $0xFFFF  }
0xb6: {  	p0 =	sne.s32 s0, $0x0;
	s0 =	rddreg [dreg:$0x5]  }
0xb7: {  	s0 =	sadd.s32 @!p0 $0x100000, s0  }
0xb8: {  	[sflag:s0] =	ssyncadd.tile.s32 @!p0 $0x1;
	_ =	shalt  }
.Lfunc_end2:
_tile_overlayer_lowered:
.L_overlay_start_2:
0xb9: {  	(tag) =	ssettag $0x2  }
0xba: {  	s0 =	rddreg [dreg:$0x0];
	s2 =	stileid.u32  }
0xbb: {  	s1 =	rddreg [dreg:$0x1];
	p0 =	sne.s32 s2, $0x0  }
0xbc: {  	s3 =	rddreg [dreg:$0x2];
	[bflag:$0x3] =	sbarrier.arrive $0xFFFF;
	s2 =	simm.s32 @!p0 $0x1C02  }
0xbd: {  	[timem:s3], [sflag:s2] =	dma.local @!p0 [hbm:s0], s1  }
0xbe: {  	s0 =	simm.s32 @!p0 $0x2  }
0xbf: {  	_ =	swait.ge @!p0 [sflag:s0], s1  }
0xc0: {  	s1 =	ssub.s32 @!p0 $0x0, s1;
	[sflag:s0] =	ssyncset.done @!p0 $0x0  }
0xc1: {  	[sflag:s0] =	ssyncadd.s32 @!p0 s1  }
0xc2: {  	[bflag:$0x3] =	sbarrier.arrive $0xFFFF  }
0xc3: {  	_ =	shalt  }

// kernel: kernel.9.cloned.1.call-start
scs
__scs_entry_jumppad:
0x0: {  	(pc) =	sbr.rel $0x88, $3  }
0x1: {  	(tag) =	ssettag $0x0;
	lr =	simm.s32 $0x1  }
0x2: {  	[smem:$0x3F7D] =	sst lr;
	_ =	strace $0xD0000000  }
0x3: {  	_ = 	snop  }
0x4: {  	_ = 	snop  }
0x5: {  	_ = 	snop  }
0x6: {  	_ = 	snop  }
0x7: {  	_ = 	snop  }
__scs_overlays_trampoline_lowered:
0x8: {  	[smem:$0x3F8C] =	sst s0  }
0x9: {  	[smem:$0x3F8D] =	sst s1  }
0xa: {  	[smem:$0x3F8E] =	sst s2  }
0xb: {  	[smem:$0x3F8F] =	sst s3  }
0xc: {  	[smem:$0x3F90] =	sst s4  }
0xd: {  	[smem:$0x3F91] =	sst s5  }
0xe: {  	[smem:$0x3F92] =	sst s6  }
0xf: {  	[smem:$0x3F93] =	sst s7  }
0x10: {  	[smem:$0x3F94] =	sst s8  }
0x11: {  	[smem:$0x3F95] =	sst s9;
	s0 =	simm.s32 @!p0 $0x0  }
0x12: {  	s1 =	sld [smem:$0x3F7B];
	s0 =	simm.s32 @p0 $0x1  }
0x13: {  	[smem:$0x3F96] =	sst s0;
	s0 =	simm.s32 @!p1 $0x0  }
0x14: {  	s2 =	sld [smem:$0x3F7A];
	s0 =	simm.s32 @p1 $0x1  }
0x15: {  	[smem:$0x3F97] =	sst s0;
	s0 =	simm.s32 @!p2 $0x0  }
0x16: {  	s3 =	sld [smem:$0x3FDB];
	s0 =	simm.s32 @p2 $0x1  }
0x17: {  	s4 =	simm.s32 $0x1BF5;
	[smem:$0x3F99] =	sst s0  }
0x18: {  	s0 =	sld [smem:$0x3F7C];
	_ =	swait.ge [sflag:s4], $0x0  }
0x19: {  	s7 =	sld [smem:$0x3F7D]  }
0x1a: {  	s8 =	sadd.s32 $0xFFFFE003, lr  }
0x1b: {  	s9 =	sadd.s32 $0xFFFFFEF7, lr;
	s5 =	simm.s32 $0xFFFFFFFF;
	p2 =	slt.u32 s8, $0xFFFFF086  }
0x1c: {  	p1 =	slt.u32 s9, $0xF7A;
	s5 =	simm.s32 @!p2 $0x0  }
0x1d: {  	s5 =	simm.s32 @p1 $0x1;
	p0 =	seq.s32 s7, s2  }
0x1e: {  	s7 =	smul.u32 @!p0 $0xF7A, s2;
	p2 =	seq.s32 @!p0 s5, $0x0  }
0x1f: {  	s9 =	smul.u32 $0xF7A, s1;
	s8 =	simm.s32 @!p0 $0x1BF5;
	p2 =	por !p2, p0  }
0x20: {  	[sflag:s8] =	ssyncset.s32 @!p0 $0xFFFFF086;
	s6 =	sadd.s32 @!p0 s3, s7;
	s7 =	simm.s32 @!p0 $0x108  }
0x21: {  	s3 =	sadd.s32 s3, s9;
	s6 =	sadd.s32 @!p0 $0x88, s6;
	s7 =	simm.s32 @p2 $0x1082  }
0x22: {  	[simem:s7], [sflag:s8] =	dma.local @!p0 [hbm:s6], $0xF7A  }
0x23: {  	s9 =	sor.u32 $0xD0000000, s2;
	s6 =	simm.s32 $0x108;
	_ =	swait.ge @!p0 [sflag:s8], $0x0  }
0x24: {  	s3 =	sadd.s32 $0x88, s3;
	s6 =	simm.s32 @!p1 $0x1082;
	[sflag:s4] =	ssyncset.s32 $0xFFFFF086  }
0x25: {  	[simem:s6], [sflag:s4] =	dma.local [hbm:s3], $0xF7A  }
0x26: {  	[smem:$0x3F7D] =	sst s1;
	(tag) =	ssettag s2;
	_ =	strace s9  }
0x27: {  	s1 =	sld [smem:$0x3F8D]  }
0x28: {  	s2 =	sld [smem:$0x3F8E]  }
0x29: {  	s4 =	sld [smem:$0x3F90]  }
0x2a: {  	p0 =	seq.s32 s5, $0x0;
	s5 =	sld [smem:$0x3F91]  }
0x2b: {  	s6 =	sld [smem:$0x3F92]  }
0x2c: {  	s7 =	sld [smem:$0x3F93]  }
0x2d: {  	s3 =	simm.s32 $0x108;
	s8 =	sld [smem:$0x3F94]  }
0x2e: {  	s3 =	simm.s32 @!p0 $0x1082;
	s9 =	sld [smem:$0x3F95]  }
0x2f: {  	lr =	sadd.s32 s0, s3;
	s0 =	sld [smem:$0x3F8C]  }
0x30: {  	s3 =	sld [smem:$0x3F8F]  }
0x31: {  	[smem:$0x3F98] =	sst s10  }
0x32: {  	s10 =	sld [smem:$0x3F96];
	_ =	sdelay $0x3  }
0x33: {  	p0 =	seq.s32 s10, $0x1;
	s10 =	sld [smem:$0x3F98];
	_ =	sdelay $0x3  }
0x34: {  	[smem:$0x3F98] =	sst s10  }
0x35: {  	s10 =	sld [smem:$0x3F97];
	_ =	sdelay $0x3  }
0x36: {  	p1 =	seq.s32 s10, $0x1;
	s10 =	sld [smem:$0x3F98];
	_ =	sdelay $0x3  }
0x37: {  	[smem:$0x3F98] =	sst s10  }
0x38: {  	s10 =	sld [smem:$0x3F99]  }
0x39: {  	_ = 	snop;
	(pc) =	sbr.ind lr, $3  }
0x3a: {  	_ = 	snop  }
0x3b: {  	_ = 	snop  }
0x3c: {  	p2 =	seq.s32 s10, $0x1;
	s10 =	sld [smem:$0x3F98]  }
0x3d: {  	_ =	shalt  }
0x3e: {  	_ =	shalt  }
0x3f: {  	_ =	shalt  }
0x40: {  	_ =	shalt  }
0x41: {  	_ =	shalt  }
0x42: {  	_ =	shalt  }
0x43: {  	_ =	shalt  }
0x44: {  	_ =	shalt  }
0x45: {  	_ =	shalt  }
0x46: {  	_ =	shalt  }
0x47: {  	_ =	shalt  }
0x48: {  	_ =	shalt  }
0x49: {  	_ =	shalt  }
0x4a: {  	_ =	shalt  }
0x4b: {  	_ =	shalt  }
0x4c: {  	_ =	shalt  }
0x4d: {  	_ =	shalt  }
0x4e: {  	_ =	shalt  }
0x4f: {  	_ =	shalt  }
0x50: {  	_ =	shalt  }
0x51: {  	_ =	shalt  }
0x52: {  	_ =	shalt  }
0x53: {  	_ =	shalt  }
0x54: {  	_ =	shalt  }
0x55: {  	_ =	shalt  }
0x56: {  	_ =	shalt  }
0x57: {  	_ =	shalt  }
0x58: {  	_ =	shalt  }
0x59: {  	_ =	shalt  }
0x5a: {  	_ =	shalt  }
0x5b: {  	_ =	shalt  }
0x5c: {  	_ =	shalt  }
0x5d: {  	_ =	shalt  }
0x5e: {  	_ =	shalt  }
0x5f: {  	_ =	shalt  }
0x60: {  	_ =	shalt  }
0x61: {  	_ =	shalt  }
0x62: {  	_ =	shalt  }
0x63: {  	_ =	shalt  }
0x64: {  	_ =	shalt  }
0x65: {  	_ =	shalt  }
0x66: {  	_ =	shalt  }
0x67: {  	_ =	shalt  }
0x68: {  	_ =	shalt  }
0x69: {  	_ =	shalt  }
0x6a: {  	_ =	shalt  }
0x6b: {  	_ =	shalt  }
0x6c: {  	_ =	shalt  }
0x6d: {  	_ =	shalt  }
0x6e: {  	_ =	shalt  }
0x6f: {  	_ =	shalt  }
0x70: {  	_ =	shalt  }
0x71: {  	_ =	shalt  }
0x72: {  	_ =	shalt  }
0x73: {  	_ =	shalt  }
0x74: {  	_ =	shalt  }
0x75: {  	_ =	shalt  }
0x76: {  	_ =	shalt  }
0x77: {  	_ =	shalt  }
0x78: {  	_ =	shalt  }
0x79: {  	_ =	shalt  }
0x7a: {  	_ =	shalt  }
0x7b: {  	_ =	shalt  }
0x7c: {  	_ =	shalt  }
0x7d: {  	_ =	shalt  }
0x7e: {  	_ =	shalt  }
0x7f: {  	_ =	shalt  }
0x80: {  	_ =	shalt  }
0x81: {  	_ =	shalt  }
0x82: {  	_ =	shalt  }
0x83: {  	_ =	shalt  }
0x84: {  	_ =	shalt  }
0x85: {  	_ =	shalt  }
0x86: {  	_ =	shalt  }
0x87: {  	_ =	shalt  }
.Lfunc_end0:
.L_simem_size_0:
called_computation.1_lowered:
.L_overlay_start_0:
0x88: {  	s2 =	sld [smem:$0x3FD9]  }
0x89: {  	s3 =	sld [smem:$0x3FFE];
	_ =	sdelay $0x1  }
0x8a: {  	s1 =	srdreg.scid  }
0x8b: {  	s0 =	sand.u32 $0x1, s1  }
0x8c: {  	s17 =	sshll.u32 s0, $0xA;
	s2 =	sadd.s32 s3, s2  }
0x8d: {  	s2 =	sadd.s32 s2, s17  }
0x8e: {  	[smem:$0x3FA4] =	sst s2  }
0x8f: {  	_ = 	snop  }
0x90: {  	s18 =	sld [smem:$0x3FC2];
	(tm) =	ssettm $0x1  }
0x91: {  	s19 =	sld [smem:$0x3FFB];
	_ =	sdelay $0x3  }
0x92: {  	_ =	strace s19  }
0x93: {  	s2 =	sld [smem:$0x3FFC];
	_ =	sdelay $0x3  }
0x94: {  	_ =	strace s2  }
0x95: {  	s2 =	sld [smem:$0x3FFD];
	_ =	sdelay $0x3  }
0x96: {  	_ =	strace s2  }
0x97: {  	_ =	strace $0x8FFFFFFF  }
0x98: {  	s20 =	sld [smem:$0x3FDB];
	_ =	sdelay $0x1  }
0x99: {  	s4 =	simm.s32 $_scs_section_size  }
0x9a: {  	s5 =	simm.s32 $_size__tile_overlayer_lowered;
	s6 =	simm.s32 $_tile_overlayer_lowered  }
0x9b: {  	s7 =	simm.s32 $0x1BFF;
	s21 =	sshll.u32 s6, $0x1;
	s4 =	sadd.s32 s4, s20  }
0x9c: {  	s22 =	simm.s32 $0x0;
	s5 =	sshll.u32 s5, $0x1;
	s6 =	sadd.s32 s21, s4  }
0x9d: {  	[timem:s22], [sflag:s7] =	dma.local [hbm:s6], s5  }
0x9e: {  	_ =	swait.ge [sflag:s7], s5  }
0x9f: {  	s5 =	ssub.s32 $0x0, s5;
	[sflag:s7] =	ssyncset.done $0x0  }
0xa0: {  	[sflag:s7] =	ssyncadd.s32 s5;
	_ =	sdelay $0x1  }
0xa1: {  	s23 =	simm.s32 $0x1B8B  }
0xa2: {  	_ =	swait.ge [sflag:s23], $0x1  }
0xa3: {  	[sflag:s23] =	ssyncset.done $0x0  }
0xa4: {  	[sflag:s23] =	ssyncadd.s32 $0xFFFFFFFF  }
0xa5: {  	s5 =	sld [smem:$0x0]  }
0xa6: {  	s6 =	sand.u32 $0xFFFFFFFE, s1  }
0xa7: {  	p0 =	sne.s32 s1, s6  }
0xa8: {  	s6 =	sshll.u32 @p0 s6, $0xE  }
0xa9: {  	s6 =	sadd.s32 @p0 $0x11B8D, s6;
	s7 =	sshll.u32 @p0 s5, $0x11  }
0xaa: {  	s6 =	sor.u32 @p0 s7, s6  }
0xab: {  	[sflag:s6] =	ssyncadd.remote.s32 @p0 $0x1;
	_ =	sdelay $0x1  }
0xac: {  	s6 =	simm.s32 @p0 $0x1B8D  }
0xad: {  	_ =	swait.eq @p0 [sflag:s6], $0x1  }
0xae: {  	[sflag:s6] =	ssyncadd.s32 @p0 $0xFFFFFFFF  }
0xaf: {  	s7 =	sshll.u32 @!p0 s1, $0xE  }
0xb0: {  	s7 =	sor.u32 @!p0 $0x4000, s7;
	s6 =	simm.s32 @!p0 $0x1B8D  }
0xb1: {  	s5 =	sshll.u32 @!p0 s5, $0x11;
	s7 =	sadd.s32 @!p0 $0x11B8D, s7;
	_ =	swait.eq @!p0 [sflag:s6], $0x1  }
0xb2: {  	s5 =	sor.u32 @!p0 s5, s7;
	[sflag:s6] =	ssyncadd.s32 @!p0 $0xFFFFFFFF  }
0xb3: {  	s25 =	simm.s32 $0x1B8E;
	s24 =	sld [smem:$0x3FFE];
	[sflag:s5] =	ssyncadd.remote.s32 @!p0 $0x1  }
0xb4: {  	s26 =	simm.s32 $execute0_lowered;
	[smem:$0x3FD2] =	sst s25  }
0xb5: {  	s6 =	sshll.u32 s26, $0x1;
	_ =	strace $0x80000049;
	[dreg:$0x1] =	wrdreg $0xFFFFFFFF  }
0xb6: {  	s28 =	simm.s32 $_size_execute0_lowered;
	s4 =	sadd.s32 s4, s6;
	[dreg:$0x0] =	wrdreg $0x0  }
0xb7: {  	s6 =	sshll.u32 s28, $0x1;
	[dreg:$0x2] =	wrdreg s4  }
0xb8: {  	[dreg:$0x3] =	wrdreg s6  }
0xb9: {  	[dreg:$0x4] =	wrdreg $0xC0  }
0xba: {  	_ =	task [dreg:s22], $0x5FFFF  }
0xbb: {  	[dreg:$0x1] =	wrdreg $0xFFFFFFFF  }
0xbc: {  	[dreg:$0x0] =	wrdreg $0x60  }
0xbd: {  	[dreg:$0x2] =	wrdreg s24  }
0xbe: {  	[dreg:$0x3] =	wrdreg s18  }
0xbf: {  	[dreg:$0x4] =	wrdreg $0xA  }
0xc0: {  	_ =	task.clear_ibuf [dreg:s22], $0x5FFFF;
	_ =	strace $0x90000049  }
0xc1: {  	s29 =	simm.s32 $0xA;
	_ =	strace $0x8000004B  }
0xc2: {  	_ =	swait.ge [sflag:s29], $0x1  }
0xc3: {  	[sflag:s29] =	ssyncadd.s32 $0xFFFFFFFF  }
0xc4: {  	_ =	strace $0x9000004B  }
0xc5: {  	_ =	sfence  }
0xc6: {  	s30 =	sld [smem:$0x0];
	_ =	sdelay $0x2  }
0xc7: {  	s31 =	sshll.u32 s1, $0xD;
	s1 =	sshrl.u32 s1, $0x2  }
0xc8: {  	s4 =	sand.u32 $0x4000, s31;
	s1 =	sadd.s32 s1, s30  }
0xc9: {  	s0 =	sor.u32 s4, s0;
	s1 =	sshll.u32 s1, $0x11  }
0xca: {  	s0 =	sor.u32 s1, s0  }
0xcb: {  	s0 =	sadd.s32 $0x8F2B, s0  }
0xcc: {  	[sflag:s0] =	ssyncadd.remote.s32 $0x1  }
0xcd: {  	_ =	sfence.sel $0xFFFF  }
0xce: {  	[dreg:$0x0] =	wrdreg $0xFFFFFFFF;
	(pc) =	sbr.abs _section_cstart, $3  }
0xcf: {  	[dreg:$0x1] =	wrdreg $0xFFFFFFFF  }
0xd0: {  	_ =	task.clear_ibuf [dreg:s22], $0x2FFFF;
	_ =	strace $0x9FFFFFFF  }
0xd1: {  	(tm) =	ssettm $0x7FFFFFFF  }
tec
execute0_lowered:
.L_overlay_start_1:
0x0: {  	(tag) =	ssettag $0x1  }
0x1: {  	s5 =	rddreg [dreg:$0x0]  }
0x2: {  	s7 =	rddreg [dreg:$0x1]  }
0x3: {  	s0 =	rddreg [dreg:$0x2];
	s2 =	simm.s32 $0x0  }
0x4: {  	s3 =	srdreg.scid;
	s1 =	stileid.u32;
	s14 =	simm.s32 $0x200  }
0x5: {  	s15 =	simm.s32 $0x1;
	s16 =	simm.s32 $0x48;
	s17 =	simm.s32 $0x4200  }
0x6: {  	s18 =	simm.s32 $0x100;
	s19 =	simm.s32 $0x180;
	s20 =	simm.s32 $0x6600  }
0x7: {  	s21 =	simm.s32 $0xA600;
	s22 =	simm.s32 $0x2;
	s23 =	simm.s32 $0xCA00  }
0x8: {  	s24 =	simm.s32 $0x0;
	[smem:$0x7FF] =	sst s2;
	s4 =	sand.u32 $0x1, s3  }
0x9: {  	s6 =	sshll.u32 s1, $0x1;
	s3 =	sadd.s32 $0x6A00, s5;
	_ =	strace $0x8000004A  }
0xa: {  	s6 =	sor.u32 s4, s6;
	s8 =	ssub.s32 $0x2, s4;
	s4 =	sadd.s32 $0x107D800, s5  }
0xb: {  	s9 =	sshll.u32 s6, $0xB;
	s10 =	sshrl.u32 s8, $0x1;
	s11 =	smul.u32 $0xC80, s6  }
0xc: {  	s31 =	sshll.u32 s6, $0x4;
	s12 =	sadd.s32 s9, s5;
	s13 =	ssub.s32 s8, s10  }
0xd: {  	s5 =	sshll.u32 s6, $0x7;
	s7 =	sadd.s32 s7, s31;
	s6 =	sadd.s32 s3, s11  }
0xe: {  	s8 =	sadd.s32 $0x1FCFC00, s12;
	s10 =	sadd.s32 $0x1FBFC00, s12;
	s11 =	smax.u32 s13, $0x1  }
0xf: {  	s12 =	simm.s32 $0x3;
	s13 =	simm.s32 $0x80;
	s9 =	sadd.s32 $0x10, s6  }
.LBB2_1:
0x10: {  	[tilespmem:s2], [sflag:$0x3] =	stream.linear.gather [hbm4b:s7+s2], $0x80, $0x38;
	[tilespmem:$0x10A00] =	vst v63  }
0x11: {  	_ =	swait.ge [sflag:s12], $0x80  }
0x12: {  	[sflag:s12] =	ssyncset.done $0x0  }
0x13: {  	[sflag:s12] =	ssyncadd.s32 $0xFFFFFF80  }
0x14: {  	[tilespmem:s14], [sflag:$0x1] =	stream.indirect.gather [hbm4b:s4+s13], $0x80, s2, s13, $0xb8;
	[tilespmem:$0x10A00] =	vst v63  }
0x15: {  	_ =	swait.ge [sflag:s15], $0x4000  }
0x16: {  	[sflag:s15] =	ssyncset.done $0x0  }
0x17: {  	[sflag:s15] =	ssyncadd.s32 $0xFFFFC000  }
0x18: {  	[hbm4b:s8+s2] =	stream.linear.scatter [tilespmem:s14], [sflag:$0x3], $0x4000, $0x38;
	[tilespmem:$0x10A00] =	vst v63  }
0x19: {  	_ =	swait.ge [sflag:s12], $0x4000  }
0x1a: {  	[sflag:s12] =	ssyncset.done $0x0  }
0x1b: {  	[sflag:s12] =	ssyncadd.s32 $0xFFFFC000  }
0x1c: {  	[tilespmem:s2], [sflag:$0x3] =	stream.linear.gather [hbm4b:s6+s2], $0x80, $0x38;
	[tilespmem:$0x10A00] =	vst v63  }
0x1d: {  	_ =	swait.ge [sflag:s12], $0x80  }
0x1e: {  	[sflag:s12] =	ssyncset.done $0x0  }
0x1f: {  	[sflag:s12] =	ssyncadd.s32 $0xFFFFFF80  }
0x20: {  	[tilespmem:s13], [sflag:$0x3] =	stream.linear.gather [hbm4b:s9+s2], $0x48, $0x38;
	[tilespmem:$0x10A00] =	vst v63  }
0x21: {  	_ =	swait.ge [sflag:s12], $0x48  }
0x22: {  	[sflag:s12] =	ssyncset.done $0x0  }
0x23: {  	[sflag:s12] =	ssyncadd.s32 $0xFFFFFFB8  }
0x24: {  	[tilespmem:s14], [sflag:$0x1] =	stream.indirect.gather [hbm4b:s4+s13], $0x80, s2, s13, $0xb8;
	[tilespmem:$0x10A00] =	vst v63  }
0x25: {  	s25 =	simm.s32 $0x0  }
0x26: {  	[tilespmem:s17], [sflag:$0x1] =	stream.indirect.gather [hbm4b:s4+s16], $0x80, s13, s16, $0xb8;
	[tilespmem:$0x10A00] =	vst v63  }
.LBB2_2:
0x27: {  	s26 =	sshll.u32 s25, $0x1  }
0x28: {  	s26 =	sadd.s32 s5, s26  }
0x29: {  	s28 =	smul.u32 $0xC8, s26;
	_ =	sdelay $0x1  }
0x2a: {  	s26 =	sadd.s32 $0xC8, s28  }
0x2b: {  	s26 =	sshrl.u32 s26, $0x3  }
0x2c: {  	s29 =	simm.s32 $0x0;
	s26 =	sadd.s32 s3, s26  }
0x2d: {  	[tilespmem:s18], [sflag:$0x3] =	stream.linear.gather [hbm4b:s26+s29], $0x80, $0x38;
	[tilespmem:$0x10A00] =	vst v63  }
0x2e: {  	s31 =	sadd.s32 $0x148, s28;
	_ =	swait.ge [sflag:s12], $0x80  }
0x2f: {  	s26 =	sshrl.u32 s31, $0x3;
	[sflag:s12] =	ssyncset.done $0x0  }
0x30: {  	s26 =	sadd.s32 s3, s26;
	[sflag:s12] =	ssyncadd.s32 $0xFFFFFF80  }
0x31: {  	[tilespmem:s19], [sflag:$0x3] =	stream.linear.gather [hbm4b:s26+s29], $0x48, $0x38;
	[tilespmem:$0x10A00] =	vst v63  }
0x32: {  	_ =	swait.ge [sflag:s12], $0x48  }
0x33: {  	[sflag:s12] =	ssyncset.done $0x0  }
0x34: {  	[sflag:s12] =	ssyncadd.s32 $0xFFFFFFB8  }
0x35: {  	[tilespmem:s20], [sflag:$0x2] =	stream.indirect.gather [hbm4b:s4+s13], $0x80, s18, s13, $0xb8;
	[tilespmem:$0x10A00] =	vst v63  }
0x36: {  	_ = 	snop  }
0x37: {  	[tilespmem:s21], [sflag:$0x2] =	stream.indirect.gather [hbm4b:s4+s16], $0x80, s19, s16, $0xb8;
	[tilespmem:$0x10A00] =	vst v63  }
0x38: {  	_ =	swait.ge [sflag:s15], $0x4000  }
0x39: {  	[sflag:s15] =	ssyncset.done $0x0  }
0x3a: {  	[sflag:s15] =	ssyncadd.s32 $0xFFFFC000  }
0x3b: {  	_ =	swait.ge [sflag:s15], $0x2400  }
0x3c: {  	[sflag:s15] =	ssyncset.done $0x0  }
0x3d: {  	s26 =	simm.s32 $0x0;
	[sflag:s15] =	ssyncadd.s32 $0xFFFFDC00  }
0x3e: {  	v1 =	vld [tilespmem:s26+$0x280]  }
0x3f: {  	v0 =	vld [tilespmem:s26+$0x290]  }
0x40: {  	v2 =	vld [tilespmem:s26+$0x200]  }
0x41: {  	v5 =	vimm.f32 $0.0e+00;
	v3 =	vld [tilespmem:s26+$0x210]  }
0x42: {  	v7 =	vimm.f32 $0.0e+00;
	v8 =	vimm.f32 $0.0e+00;
	v6 =	vimm.f32 $0.0e+00;
	s29 =	simm.s32 $0x400;
	v4 =	vld [tilespmem:s26+$0x220]  }
.LBB2_3:
0x43: {  	p0 =	sne.s32 s29, $0x18C00;
	v9 =	vld [tilespmem:s26+$0x230];
	v10 =	vmov v1  }
0x44: {  	v11 =	vld [tilespmem:s26+$0x2A0];
	v12 =	vmov v0  }
0x45: {  	v13 =	vld [tilespmem:s26+$0x2B0];
	s26 =	sshra.s32 s29, $0x2  }
.Ltmp0:
0x46: {  	v1 =	vld [tilespmem:s26+$0x280];
	(pc) =	sbr.rel @p0 .LBB2_3-.Ltmp0, $4  }
0x47: {  	v5 =	vadd.f32 v2, v5;
	v7 =	vadd.f32 v3, v7;
	v0 =	vld [tilespmem:s26+$0x290]  }
0x48: {  	v8 =	vadd.f32 v4, v8;
	v2 =	vld [tilespmem:s26+$0x200];
	v6 =	vadd.f32 v9, v6  }
0x49: {  	v5 =	vadd.f32 v10, v5;
	v7 =	vadd.f32 v12, v7;
	v3 =	vld [tilespmem:s26+$0x210]  }
0x4a: {  	s29 =	sadd.s32 $0x400, s29;
	v8 =	vadd.f32 v11, v8;
	v4 =	vld [tilespmem:s26+$0x220];
	v6 =	vadd.f32 v13, v6  }
0x4b: {  	v9 =	vld [tilespmem:s26+$0x230]  }
0x4c: {  	v10 =	vld [tilespmem:s26+$0x2A0]  }
0x4d: {  	v11 =	vld [tilespmem:s26+$0x2B0];
	v2 =	vadd.f32 v2, v5  }
0x4e: {  	v3 =	vadd.f32 v3, v7  }
0x4f: {  	s31 =	sshll.u32 s25, $0x8;
	v4 =	vadd.f32 v4, v8;
	v1 =	vadd.f32 v1, v2  }
0x50: {  	s26 =	sand.u32 $0x3FFFFF00, s31;
	v2 =	vadd.f32 v9, v6;
	v0 =	vadd.f32 v0, v3  }
0x51: {  	p0 =	seq.s32 s25, $0x3F;
	v3 =	vadd.f32 v10, v4;
	[tilespmem:s26+$0xCA00] =	vst v1  }
0x52: {  	s28 =	sshrl.u32 @!p0 s28, $0x3;
	v1 =	vadd.f32 v11, v2;
	[tilespmem:s26+$0xCA10] =	vst v0  }
0x53: {  	s28 =	sadd.s32 @!p0 s3, s28;
	[tilespmem:s26+$0xCA20] =	vst v3  }
0x54: {  	s30 =	simm.s32 @!p0 $0x0;
	s29 =	sadd.s32 @!p0 $0x32, s28;
	[tilespmem:s26+$0xCA30] =	vst v1  }
0x55: {  	[tilespmem:s30], [sflag:$0x3] =	stream.linear.gather @!p0 [hbm4b:s29+s30], $0x80, $0x38;
	[tilespmem:$0x10A00] =	vst v63  }
0x56: {  	s29 =	simm.s32 @!p0 $0x3  }
0x57: {  	_ =	swait.ge @!p0 [sflag:s29], $0x80  }
0x58: {  	[sflag:s29] =	ssyncset.done @!p0 $0x0  }
0x59: {  	s31 =	simm.s32 @!p0 $0x80;
	s28 =	sadd.s32 @!p0 $0x42, s28;
	[sflag:s29] =	ssyncadd.s32 @!p0 $0xFFFFFF80  }
0x5a: {  	[tilespmem:s31], [sflag:$0x3] =	stream.linear.gather @!p0 [hbm4b:s28+s30], $0x48, $0x38;
	[tilespmem:$0x10A00] =	vst v63  }
0x5b: {  	_ =	swait.ge @!p0 [sflag:s29], $0x48  }
0x5c: {  	[sflag:s29] =	ssyncset.done @!p0 $0x0  }
0x5d: {  	s28 =	simm.s32 @!p0 $0x200;
	[sflag:s29] =	ssyncadd.s32 @!p0 $0xFFFFFFB8  }
0x5e: {  	[tilespmem:s28], [sflag:$0x1] =	stream.indirect.gather @!p0 [hbm4b:s4+s31], $0x80, s30, s31, $0xb8;
	[tilespmem:$0x10A00] =	vst v63  }
0x5f: {  	s29 =	simm.s32 @!p0 $0x4200;
	s28 =	simm.s32 @!p0 $0x48  }
0x60: {  	[tilespmem:s29], [sflag:$0x1] =	stream.indirect.gather @!p0 [hbm4b:s4+s28], $0x80, s31, s28, $0xb8;
	[tilespmem:$0x10A00] =	vst v63  }
0x61: {  	_ =	swait.ge [sflag:s22], $0x4000  }
0x62: {  	[sflag:s22] =	ssyncset.done $0x0  }
0x63: {  	[sflag:s22] =	ssyncadd.s32 $0xFFFFC000  }
0x64: {  	_ =	swait.ge [sflag:s22], $0x2400  }
0x65: {  	[sflag:s22] =	ssyncset.done $0x0  }
0x66: {  	s28 =	simm.s32 $0x0;
	[sflag:s22] =	ssyncadd.s32 $0xFFFFDC00  }
0x67: {  	v1 =	vld [tilespmem:s28+$0x6680]  }
0x68: {  	v0 =	vld [tilespmem:s28+$0x6690]  }
0x69: {  	v2 =	vld [tilespmem:s28+$0x6600]  }
0x6a: {  	v7 =	vimm.f32 $0.0e+00;
	v3 =	vld [tilespmem:s28+$0x6610]  }
0x6b: {  	s25 =	sadd.s32 $0x1, s25;
	v8 =	vimm.f32 $0.0e+00;
	v6 =	vimm.f32 $0.0e+00;
	v4 =	vimm.f32 $0.0e+00;
	s29 =	simm.s32 $0x400;
	v5 =	vld [tilespmem:s28+$0x6620]  }
.LBB2_5:
0x6c: {  	p0 =	sne.s32 s29, $0x18C00;
	v9 =	vld [tilespmem:s28+$0x6630];
	v10 =	vmov v1  }
0x6d: {  	v11 =	vld [tilespmem:s28+$0x66A0];
	v12 =	vmov v0  }
0x6e: {  	v13 =	vld [tilespmem:s28+$0x66B0];
	s28 =	sshra.s32 s29, $0x2  }
.Ltmp1:
0x6f: {  	v1 =	vld [tilespmem:s28+$0x6680];
	(pc) =	sbr.rel @p0 .LBB2_5-.Ltmp1, $4  }
0x70: {  	v4 =	vadd.f32 v2, v4;
	v6 =	vadd.f32 v3, v6;
	v0 =	vld [tilespmem:s28+$0x6690]  }
0x71: {  	v8 =	vadd.f32 v5, v8;
	v2 =	vld [tilespmem:s28+$0x6600];
	v7 =	vadd.f32 v9, v7  }
0x72: {  	v4 =	vadd.f32 v10, v4;
	v6 =	vadd.f32 v12, v6;
	v3 =	vld [tilespmem:s28+$0x6610]  }
0x73: {  	s29 =	sadd.s32 $0x400, s29;
	v8 =	vadd.f32 v11, v8;
	v5 =	vld [tilespmem:s28+$0x6620];
	v7 =	vadd.f32 v13, v7  }
0x74: {  	v9 =	vld [tilespmem:s28+$0x6630]  }
0x75: {  	v10 =	vld [tilespmem:s28+$0x66A0]  }
0x76: {  	v11 =	vld [tilespmem:s28+$0x66B0];
	v2 =	vadd.f32 v2, v4  }
0x77: {  	v3 =	vadd.f32 v3, v6  }
0x78: {  	p0 =	sne.s32 s25, $0x40;
	v60 =	vadd.f32 v5, v8;
	v1 =	vadd.f32 v1, v2  }
.Ltmp2:
0x79: {  	v61 =	vadd.f32 v9, v7;
	v0 =	vadd.f32 v0, v3;
	(pc) =	sbr.rel @p0 .LBB2_2-.Ltmp2, $4  }
0x7a: {  	v62 =	vadd.f32 v10, v60;
	[tilespmem:s26+$0xCA80] =	vst v1  }
0x7b: {  	v63 =	vadd.f32 v11, v61;
	[tilespmem:s26+$0xCA90] =	vst v0  }
0x7c: {  	[tilespmem:s26+$0xCAA0] =	vst v62  }
0x7d: {  	[tilespmem:s26+$0xCAB0] =	vst v63  }
0x7e: {  	s24 =	sadd.s32 $0x1, s24  }
0x7f: {  	p0 =	sne.s32 s24, s11  }
.Ltmp3:
0x80: {  	_ = 	snop;
	(pc) =	sbr.rel @p0 .LBB2_1-.Ltmp3, $4  }
0x81: {  	[hbm4b:s10+s2] =	stream.linear.scatter [tilespmem:s23], [sflag:$0x3], $0x4000, $0x38;
	[tilespmem:$0x10A00] =	vst v63  }
0x82: {  	_ =	swait.ge [sflag:s12], $0x4000  }
0x83: {  	[sflag:s12] =	ssyncset.done $0x0  }
0x84: {  	[sflag:s12] =	ssyncadd.s32 $0xFFFFC000  }
0x85: {  	_ =	sfence.sel $0x180000  }
0x86: {  	[bflag:$0x0] =	sbarrier.arrive $0xFFFF  }
0x87: {  	p0 =	sne.s32 s1, $0x0;
	_ =	strace $0x9000004A  }
0x88: {  	s0 =	sadd.s32 @!p0 $0x100000, s0;
	[bflag:$0x2] =	sbarrier.arrive $0xFFFF  }
0x89: {  	[sflag:s0] =	ssyncadd.tile.s32 @!p0 $0x1;
	_ =	shalt  }
.Lfunc_end2:
_tile_overlayer_lowered:
.L_overlay_start_2:
0x8a: {  	(tag) =	ssettag $0x2  }
0x8b: {  	s0 =	rddreg [dreg:$0x0];
	s2 =	stileid.u32  }
0x8c: {  	s1 =	rddreg [dreg:$0x1];
	p0 =	sne.s32 s2, $0x0  }
0x8d: {  	s3 =	rddreg [dreg:$0x2];
	[bflag:$0x3] =	sbarrier.arrive $0xFFFF;
	s2 =	simm.s32 @!p0 $0x1C03  }
0x8e: {  	[timem:s3], [sflag:s2] =	dma.local @!p0 [hbm:s0], s1  }
0x8f: {  	s0 =	simm.s32 @!p0 $0x3  }
0x90: {  	_ =	swait.ge @!p0 [sflag:s0], s1  }
0x91: {  	s1 =	ssub.s32 @!p0 $0x0, s1;
	[sflag:s0] =	ssyncset.done @!p0 $0x0  }
0x92: {  	[sflag:s0] =	ssyncadd.s32 @!p0 s1  }
0x93: {  	[bflag:$0x3] =	sbarrier.arrive $0xFFFF  }
0x94: {  	_ =	shalt  }

</sc_bundles>
